<compile_context>
chip_gen: v7x
topology: tpu7x:2x2x1
jax: 0.10.2.dev20260603
libtpu: 0.0.44.dev20260713+nightly
codegen_flags: <defaults>
</compile_context>

<pallas_src>
import functools

import jax
import jax.numpy as jnp
from jax import lax
from jax.experimental import pallas as pl
from jax.experimental.pallas import tpu as pltpu
from jax.experimental.pallas import tpu_sc as plsc


def _sc_gather_t(indices, table_t):
    D, V = table_t.shape
    B, = indices.shape
    info = plsc.get_sparse_core_info()
    NC, NS = info.num_cores, info.num_subcores
    NW = NC * NS
    b_per_w = B // NW
    CHUNK = 8
    n_chunks = b_per_w // CHUNK

    mesh = plsc.VectorSubcoreMesh(core_axis_name="c", subcore_axis_name="s")

    @functools.partial(
        pl.kernel,
        mesh=mesh,
        compiler_params=pltpu.CompilerParams(needs_layout_passes=False),
        out_type=jax.ShapeDtypeStruct((B * D,), jnp.float32),
        scratch_types=[
            pltpu.VMEM((b_per_w + 16,), jnp.int32),
            pltpu.VMEM((D, 2 * 128 * CHUNK), jnp.float32),
            pltpu.VMEM((b_per_w * D,), jnp.float32),
            pltpu.SemaphoreType.DMA,
            pltpu.SemaphoreType.DMA,
        ],
    )
    def gather_k(tab_hbm, idx_hbm, out_hbm, idx_s, blk_v, stage_v, sem0, sem1):
        wid = lax.axis_index("s") * NC + lax.axis_index("c")
        base = wid * b_per_w
        pltpu.sync_copy(idx_hbm.at[pl.ds(base, b_per_w)],
                        idx_s.at[pl.ds(0, b_per_w)])

        rows0 = lax.iota(jnp.int32, 16)
        rows1 = rows0 + 16

        def fire(c, sem):
            half = lax.rem(c, 2)
            vec = idx_s[pl.ds(c * CHUNK, 16)]
            off = (vec >> 7) << 7
            for j in range(CHUNK):
                pltpu.async_copy(
                    tab_hbm.at[:, pl.ds(pl.multiple_of(off[j], 128), 128)],
                    blk_v.at[:, pl.ds(half * (128 * CHUNK) + 128 * j, 128)],
                    sem,
                )

        def drain(sem):
            for _ in range(CHUNK):
                pltpu.make_async_copy(
                    tab_hbm.at[:, pl.ds(0, 128)],
                    blk_v.at[:, pl.ds(0, 128)],
                    sem,
                ).wait()

        def extract(c):
            half = lax.rem(c, 2)
            vec = idx_s[pl.ds(c * CHUNK, 16)]
            rem = vec - ((vec >> 7) << 7)
            for j in range(CHUNK):
                col = half * (128 * CHUNK) + 128 * j + rem[j]
                cols = jnp.full((16,), col, jnp.int32)
                v0 = plsc.load_gather(blk_v, [rows0, cols])
                v1 = plsc.load_gather(blk_v, [rows1, cols])
                s = (c * CHUNK + j) * D
                plsc.store_scatter(stage_v, [s + rows0], v0)
                plsc.store_scatter(stage_v, [s + 16 + rows0], v1)

        fire(0, sem0)

        def body(c, _):
            sa = lax.rem(c, 2)

            @pl.when(sa == 0)
            def _():
                fire(c + 1, sem1)
                drain(sem0)

            @pl.when(sa == 1)
            def _():
                fire(c + 1, sem0)
                drain(sem1)

            extract(c)
            return ()

        lax.fori_loop(0, n_chunks - 1, body, (), unroll=False)
        last = n_chunks - 1

        @pl.when(lax.rem(last, 2) == 0)
        def _():
            drain(sem0)

        @pl.when(lax.rem(last, 2) == 1)
        def _():
            drain(sem1)

        extract(last)
        pltpu.sync_copy(stage_v, out_hbm.at[pl.ds(base * D, b_per_w * D)])

    return gather_k(table_t, indices)


def _tc_mlp_t(x, W1, b1, W2, b2):
    B, D = x.shape
    H = W1.shape[1]
    O = W2.shape[1]
    BLK = 2048
    grid = (B // BLK,)

    def body(x_ref, w1_ref, b1_ref, w2_ref, b2_ref, o_ref):
        h = jnp.dot(x_ref[...], w1_ref[...],
                    preferred_element_type=jnp.float32) + b1_ref[...]
        o_t = lax.dot_general(w2_ref[...], h,
                              (((0,), (1,)), ((), ())),
                              preferred_element_type=jnp.float32)
        o_ref[...] = o_t + b2_ref[...]

    return pl.pallas_call(
        body,
        grid=grid,
        in_specs=[
            pl.BlockSpec((BLK, D), lambda i: (i, 0)),
            pl.BlockSpec((D, H), lambda i: (0, 0)),
            pl.BlockSpec((1, H), lambda i: (0, 0)),
            pl.BlockSpec((H, O), lambda i: (0, 0)),
            pl.BlockSpec((O, 1), lambda i: (0, 0)),
        ],
        out_specs=pl.BlockSpec((O, BLK), lambda i: (0, i)),
        out_shape=jax.ShapeDtypeStruct((O, B), jnp.float32),
    )(x, W1, b1.reshape(1, H), W2, b2.reshape(O, 1))


def kernel(indices, table, W1, b1, W2, b2):
    idx = indices.astype(jnp.int32)
    B = idx.shape[0]
    D = table.shape[1]
    gathered = _sc_gather_t(idx, table.T).reshape(B, D)
    return _tc_mlp_t(gathered, W1, b1, W2, b2).T

# --- scband reference (transcript-rebuilt; emitter-appended) ---
"""Pipeline reference for scband-candidate-model-33062658244760 (READ-ONLY COPY).

The authoritative reference and input builder live on the scoring server;
editing this copy changes nothing except your own understanding.
"""

import jax, jax.numpy as jnp
import numpy as np

N_ITEMS = 1000000
EMBED_DIM = 32
BATCH = 16384
LAYER_SIZES = [32, 32]

def setup_inputs(seed: int = 0) -> dict:
    key = jax.random.key(seed)
    k_idx, k_tab, k_w1, k_b1, k_w2, k_b2 = jax.random.split(key, 6)
    indices = jax.random.randint(k_idx, (BATCH,), 0, N_ITEMS, dtype=jnp.int64 if jax.config.jax_enable_x64 else jnp.int32)
    table = jax.random.normal(k_tab, (N_ITEMS, EMBED_DIM), dtype=jnp.float32) * 0.05
    W1 = jax.random.normal(k_w1, (EMBED_DIM, LAYER_SIZES[0]), dtype=jnp.float32) * (1.0 / np.sqrt(EMBED_DIM))
    b1 = jnp.zeros((LAYER_SIZES[0],), dtype=jnp.float32)
    W2 = jax.random.normal(k_w2, (LAYER_SIZES[0], LAYER_SIZES[1]), dtype=jnp.float32) * (1.0 / np.sqrt(LAYER_SIZES[0]))
    b2 = jnp.zeros((LAYER_SIZES[1],), dtype=jnp.float32)
    return {"indices": indices, "table": table, "W1": W1, "b1": b1, "W2": W2, "b2": b2}

def reference(indices, table, W1, b1, W2, b2):
    # Embedding lookup (gather)
    x = jnp.take(table, indices, axis=0)  # [B, embed_dim]
    # Dense layers (Keras Dense default: linear activation)
    x = x @ W1 + b1
    x = x @ W2 + b2
    return x

if __name__ == "__main__":
    import jax
    _d = setup_inputs()
    print(jax.jit(kernel)(*tuple(_d.values())))

</pallas_src>

<mosaic_0001>
#map = affine_map<(d0, d1) -> (0, 0)>
#map1 = affine_map<(d0, d1) -> (0)>
module attributes {stable_mosaic.version = 14 : i64} {
  func.func @gather_k(%arg0: i32, %arg1: i32, %arg2: memref<32x1000000xf32, #tpu.memory_space<hbm>>, %arg3: memref<16384xi32, #tpu.memory_space<hbm>>, %arg4: memref<524288xf32, #tpu.memory_space<hbm>>, %arg5: memref<528xi32, #tpu.memory_space<vmem>>, %arg6: memref<32x2048xf32, #tpu.memory_space<vmem>>, %arg7: memref<16384xf32, #tpu.memory_space<vmem>>, %arg8: memref<!tpu.dma_semaphore, #tpu.memory_space<semaphore_mem>>, %arg9: memref<!tpu.dma_semaphore, #tpu.memory_space<semaphore_mem>>) attributes {dimension_semantics = [#tpu.dimension_semantics<core_parallel>, #tpu.dimension_semantics<subcore_parallel>], iteration_bounds = array<i64: 2, 16>, scalar_prefetch = 0 : i64, scratch_operands = 5 : i64, tpu.core_type = #tpu.core_type<sc_vector_subcore>, window_params = [{transform_indices = #map}, {transform_indices = #map1}, {transform_indices = #map1}]} {
    %mul3A = arith.constant 2 : i32
    %mul3A_0 = arith.muli %arg1, %mul3A : i32
    %add3A = arith.addi %mul3A_0, %arg0 : i32
    %mul3A_1 = arith.constant 512 : i32
    %mul3A_2 = arith.muli %add3A, %mul3A_1 : i32
    "tpu.region"() ({
      %run_scoped3A = tpu.sem_alloc : memref<!tpu.dma_semaphore, #tpu.memory_space<semaphore_mem>>
      %dma_start3A_285 = arith.constant 0 : i32
      %dma_start3A_286 = tpu.memref_slice %arg5[%dma_start3A_285] : memref<528xi32, #tpu.memory_space<vmem>> -> memref<512xi32, #tpu.memory_space<vmem>>
      %dma_start3A_287 = tpu.memref_slice %arg3[%mul3A_2] : memref<16384xi32, #tpu.memory_space<hbm>> -> memref<512xi32, #tpu.memory_space<hbm>>
      %dma_start3A_288 = arith.constant 0 : i32
      %dma_start3A_289 = tpu.memref_slice %arg5[%dma_start3A_288] : memref<528xi32, #tpu.memory_space<vmem>> -> memref<512xi32, #tpu.memory_space<vmem>>
      %dma_start3A_290 = tpu.memref_slice %arg3[%mul3A_2] : memref<16384xi32, #tpu.memory_space<hbm>> -> memref<512xi32, #tpu.memory_space<hbm>>
      tpu.enqueue_dma source(%dma_start3A_290 : memref<512xi32, #tpu.memory_space<hbm>>) target(%dma_start3A_289 : memref<512xi32, #tpu.memory_space<vmem>>) target_semaphore(%run_scoped3A : memref<!tpu.dma_semaphore, #tpu.memory_space<semaphore_mem>>)
      %dma_wait3A = arith.constant 0 : i32
      %dma_wait3A_291 = tpu.memref_slice %arg5[%dma_wait3A] : memref<528xi32, #tpu.memory_space<vmem>> -> memref<512xi32, #tpu.memory_space<vmem>>
      %dma_wait3A_292 = tpu.memref_slice %arg3[%mul3A_2] : memref<16384xi32, #tpu.memory_space<hbm>> -> memref<512xi32, #tpu.memory_space<hbm>>
      %dma_wait3A_293 = arith.constant 0 : i32
      %dma_wait3A_294 = tpu.memref_slice %arg5[%dma_wait3A_293] : memref<528xi32, #tpu.memory_space<vmem>> -> memref<512xi32, #tpu.memory_space<vmem>>
      %dma_wait3A_295 = tpu.memref_slice %arg3[%mul3A_2] : memref<16384xi32, #tpu.memory_space<hbm>> -> memref<512xi32, #tpu.memory_space<hbm>>
      tpu.wait_dma2 semaphore(%run_scoped3A : memref<!tpu.dma_semaphore, #tpu.memory_space<semaphore_mem>>) src(%dma_wait3A_295 : memref<512xi32, #tpu.memory_space<hbm>>) dst(%dma_wait3A_294 : memref<512xi32, #tpu.memory_space<vmem>>)
      tpu.yield
    }) : () -> ()
    %iota3A = tpu.iota {dimensions = array<i32: 0>} : vector<16xi32>
    %add3A_3 = arith.constant 16 : i32
    %add3A_4 = vector.broadcast %add3A_3 : i32 to vector<16xi32>
    %add3A_5 = arith.addi %iota3A, %add3A_4 : vector<16xi32>
    %rem3A = arith.constant 0 : i32
    %rem3A_6 = arith.constant 2 : i32
    %rem3A_7 = arith.remsi %rem3A, %rem3A_6 : i32
    %get3A = arith.constant 0 : index
    %get3A_8 = tpu.vector_load %arg5[%get3A] {strides = array<i32>} : memref<528xi32, #tpu.memory_space<vmem>>, vector<16xi32>,
    %shift_right_arithmetic3A = arith.constant 7 : i32
    %shift_right_arithmetic3A_9 = vector.broadcast %shift_right_arithmetic3A : i32 to vector<16xi32>
    %shift_right_arithmetic3A_10 = arith.shrsi %get3A_8, %shift_right_arithmetic3A_9 : vector<16xi32>
    %shift_left3A = arith.constant 7 : i32
    %shift_left3A_11 = vector.broadcast %shift_left3A : i32 to vector<16xi32>
    %shift_left3A_12 = arith.shli %shift_right_arithmetic3A_10, %shift_left3A_11 : vector<16xi32>
    %slice3A = vector.extract_strided_slice %shift_left3A_12 {offsets = [0], sizes = [1], strides = [1]} : vector<16xi32> to vector<1xi32>
    %squeeze3A = vector.extract %slice3A[0] : i32 from vector<1xi32>
    %multiple_of3A = tpu.assume_multiple %squeeze3A, 128 : i32
    %mul3A_13 = arith.constant 1024 : i32
    %mul3A_14 = arith.muli %rem3A_7, %mul3A_13 : i32
    %add3A_15 = arith.constant 0 : i32
    %add3A_16 = arith.addi %mul3A_14, %add3A_15 : i32
    %dma_start3A = arith.constant 0 : i32
    %dma_start3A_17 = tpu.memref_slice %arg6[%dma_start3A, %add3A_16] : memref<32x2048xf32, #tpu.memory_space<vmem>> -> memref<32x128xf32, #tpu.memory_space<vmem>>
    %dma_start3A_18 = arith.constant 0 : i32
    %dma_start3A_19 = tpu.memref_slice %arg2[%dma_start3A_18, %multiple_of3A] : memref<32x1000000xf32, #tpu.memory_space<hbm>> -> memref<32x128xf32, #tpu.memory_space<hbm>>
    %dma_start3A_20 = arith.constant 0 : i32
    %dma_start3A_21 = tpu.memref_slice %arg6[%dma_start3A_20, %add3A_16] : memref<32x2048xf32, #tpu.memory_space<vmem>> -> memref<32x128xf32, #tpu.memory_space<vmem>>
    %dma_start3A_22 = arith.constant 0 : i32
    %dma_start3A_23 = tpu.memref_slice %arg2[%dma_start3A_22, %multiple_of3A] : memref<32x1000000xf32, #tpu.memory_space<hbm>> -> memref<32x128xf32, #tpu.memory_space<hbm>>
    tpu.enqueue_dma source(%dma_start3A_23 : memref<32x128xf32, #tpu.memory_space<hbm>>) target(%dma_start3A_21 : memref<32x128xf32, #tpu.memory_space<vmem>>) target_semaphore(%arg8 : memref<!tpu.dma_semaphore, #tpu.memory_space<semaphore_mem>>)
    %slice3A_24 = vector.extract_strided_slice %shift_left3A_12 {offsets = [1], sizes = [1], strides = [1]} : vector<16xi32> to vector<1xi32>
    %squeeze3A_25 = vector.extract %slice3A_24[0] : i32 from vector<1xi32>
    %multiple_of3A_26 = tpu.assume_multiple %squeeze3A_25, 128 : i32
    %mul3A_27 = arith.constant 1024 : i32
    %mul3A_28 = arith.muli %rem3A_7, %mul3A_27 : i32
    %add3A_29 = arith.constant 128 : i32
    %add3A_30 = arith.addi %mul3A_28, %add3A_29 : i32
    %dma_start3A_31 = arith.constant 0 : i32
    %dma_start3A_32 = tpu.memref_slice %arg6[%dma_start3A_31, %add3A_30] : memref<32x2048xf32, #tpu.memory_space<vmem>> -> memref<32x128xf32, #tpu.memory_space<vmem>>
    %dma_start3A_33 = arith.constant 0 : i32
    %dma_start3A_34 = tpu.memref_slice %arg2[%dma_start3A_33, %multiple_of3A_26] : memref<32x1000000xf32, #tpu.memory_space<hbm>> -> memref<32x128xf32, #tpu.memory_space<hbm>>
    %dma_start3A_35 = arith.constant 0 : i32
    %dma_start3A_36 = tpu.memref_slice %arg6[%dma_start3A_35, %add3A_30] : memref<32x2048xf32, #tpu.memory_space<vmem>> -> memref<32x128xf32, #tpu.memory_space<vmem>>
    %dma_start3A_37 = arith.constant 0 : i32
    %dma_start3A_38 = tpu.memref_slice %arg2[%dma_start3A_37, %multiple_of3A_26] : memref<32x1000000xf32, #tpu.memory_space<hbm>> -> memref<32x128xf32, #tpu.memory_space<hbm>>
    tpu.enqueue_dma source(%dma_start3A_38 : memref<32x128xf32, #tpu.memory_space<hbm>>) target(%dma_start3A_36 : memref<32x128xf32, #tpu.memory_space<vmem>>) target_semaphore(%arg8 : memref<!tpu.dma_semaphore, #tpu.memory_space<semaphore_mem>>)
    %slice3A_39 = vector.extract_strided_slice %shift_left3A_12 {offsets = [2], sizes = [1], strides = [1]} : vector<16xi32> to vector<1xi32>
    %squeeze3A_40 = vector.extract %slice3A_39[0] : i32 from vector<1xi32>
    %multiple_of3A_41 = tpu.assume_multiple %squeeze3A_40, 128 : i32
    %mul3A_42 = arith.constant 1024 : i32
    %mul3A_43 = arith.muli %rem3A_7, %mul3A_42 : i32
    %add3A_44 = arith.constant 256 : i32
    %add3A_45 = arith.addi %mul3A_43, %add3A_44 : i32
    %dma_start3A_46 = arith.constant 0 : i32
    %dma_start3A_47 = tpu.memref_slice %arg6[%dma_start3A_46, %add3A_45] : memref<32x2048xf32, #tpu.memory_space<vmem>> -> memref<32x128xf32, #tpu.memory_space<vmem>>
    %dma_start3A_48 = arith.constant 0 : i32
    %dma_start3A_49 = tpu.memref_slice %arg2[%dma_start3A_48, %multiple_of3A_41] : memref<32x1000000xf32, #tpu.memory_space<hbm>> -> memref<32x128xf32, #tpu.memory_space<hbm>>
    %dma_start3A_50 = arith.constant 0 : i32
    %dma_start3A_51 = tpu.memref_slice %arg6[%dma_start3A_50, %add3A_45] : memref<32x2048xf32, #tpu.memory_space<vmem>> -> memref<32x128xf32, #tpu.memory_space<vmem>>
    %dma_start3A_52 = arith.constant 0 : i32
    %dma_start3A_53 = tpu.memref_slice %arg2[%dma_start3A_52, %multiple_of3A_41] : memref<32x1000000xf32, #tpu.memory_space<hbm>> -> memref<32x128xf32, #tpu.memory_space<hbm>>
    tpu.enqueue_dma source(%dma_start3A_53 : memref<32x128xf32, #tpu.memory_space<hbm>>) target(%dma_start3A_51 : memref<32x128xf32, #tpu.memory_space<vmem>>) target_semaphore(%arg8 : memref<!tpu.dma_semaphore, #tpu.memory_space<semaphore_mem>>)
    %slice3A_54 = vector.extract_strided_slice %shift_left3A_12 {offsets = [3], sizes = [1], strides = [1]} : vector<16xi32> to vector<1xi32>
    %squeeze3A_55 = vector.extract %slice3A_54[0] : i32 from vector<1xi32>
    %multiple_of3A_56 = tpu.assume_multiple %squeeze3A_55, 128 : i32
    %mul3A_57 = arith.constant 1024 : i32
    %mul3A_58 = arith.muli %rem3A_7, %mul3A_57 : i32
    %add3A_59 = arith.constant 384 : i32
    %add3A_60 = arith.addi %mul3A_58, %add3A_59 : i32
    %dma_start3A_61 = arith.constant 0 : i32
    %dma_start3A_62 = tpu.memref_slice %arg6[%dma_start3A_61, %add3A_60] : memref<32x2048xf32, #tpu.memory_space<vmem>> -> memref<32x128xf32, #tpu.memory_space<vmem>>
    %dma_start3A_63 = arith.constant 0 : i32
    %dma_start3A_64 = tpu.memref_slice %arg2[%dma_start3A_63, %multiple_of3A_56] : memref<32x1000000xf32, #tpu.memory_space<hbm>> -> memref<32x128xf32, #tpu.memory_space<hbm>>
    %dma_start3A_65 = arith.constant 0 : i32
    %dma_start3A_66 = tpu.memref_slice %arg6[%dma_start3A_65, %add3A_60] : memref<32x2048xf32, #tpu.memory_space<vmem>> -> memref<32x128xf32, #tpu.memory_space<vmem>>
    %dma_start3A_67 = arith.constant 0 : i32
    %dma_start3A_68 = tpu.memref_slice %arg2[%dma_start3A_67, %multiple_of3A_56] : memref<32x1000000xf32, #tpu.memory_space<hbm>> -> memref<32x128xf32, #tpu.memory_space<hbm>>
    tpu.enqueue_dma source(%dma_start3A_68 : memref<32x128xf32, #tpu.memory_space<hbm>>) target(%dma_start3A_66 : memref<32x128xf32, #tpu.memory_space<vmem>>) target_semaphore(%arg8 : memref<!tpu.dma_semaphore, #tpu.memory_space<semaphore_mem>>)
    %slice3A_69 = vector.extract_strided_slice %shift_left3A_12 {offsets = [4], sizes = [1], strides = [1]} : vector<16xi32> to vector<1xi32>
    %squeeze3A_70 = vector.extract %slice3A_69[0] : i32 from vector<1xi32>
    %multiple_of3A_71 = tpu.assume_multiple %squeeze3A_70, 128 : i32
    %mul3A_72 = arith.constant 1024 : i32
    %mul3A_73 = arith.muli %rem3A_7, %mul3A_72 : i32
    %add3A_74 = arith.constant 512 : i32
    %add3A_75 = arith.addi %mul3A_73, %add3A_74 : i32
    %dma_start3A_76 = arith.constant 0 : i32
    %dma_start3A_77 = tpu.memref_slice %arg6[%dma_start3A_76, %add3A_75] : memref<32x2048xf32, #tpu.memory_space<vmem>> -> memref<32x128xf32, #tpu.memory_space<vmem>>
    %dma_start3A_78 = arith.constant 0 : i32
    %dma_start3A_79 = tpu.memref_slice %arg2[%dma_start3A_78, %multiple_of3A_71] : memref<32x1000000xf32, #tpu.memory_space<hbm>> -> memref<32x128xf32, #tpu.memory_space<hbm>>
    %dma_start3A_80 = arith.constant 0 : i32
    %dma_start3A_81 = tpu.memref_slice %arg6[%dma_start3A_80, %add3A_75] : memref<32x2048xf32, #tpu.memory_space<vmem>> -> memref<32x128xf32, #tpu.memory_space<vmem>>
    %dma_start3A_82 = arith.constant 0 : i32
    %dma_start3A_83 = tpu.memref_slice %arg2[%dma_start3A_82, %multiple_of3A_71] : memref<32x1000000xf32, #tpu.memory_space<hbm>> -> memref<32x128xf32, #tpu.memory_space<hbm>>
    tpu.enqueue_dma source(%dma_start3A_83 : memref<32x128xf32, #tpu.memory_space<hbm>>) target(%dma_start3A_81 : memref<32x128xf32, #tpu.memory_space<vmem>>) target_semaphore(%arg8 : memref<!tpu.dma_semaphore, #tpu.memory_space<semaphore_mem>>)
    %slice3A_84 = vector.extract_strided_slice %shift_left3A_12 {offsets = [5], sizes = [1], strides = [1]} : vector<16xi32> to vector<1xi32>
    %squeeze3A_85 = vector.extract %slice3A_84[0] : i32 from vector<1xi32>
    %multiple_of3A_86 = tpu.assume_multiple %squeeze3A_85, 128 : i32
    %mul3A_87 = arith.constant 1024 : i32
    %mul3A_88 = arith.muli %rem3A_7, %mul3A_87 : i32
    %add3A_89 = arith.constant 640 : i32
    %add3A_90 = arith.addi %mul3A_88, %add3A_89 : i32
    %dma_start3A_91 = arith.constant 0 : i32
    %dma_start3A_92 = tpu.memref_slice %arg6[%dma_start3A_91, %add3A_90] : memref<32x2048xf32, #tpu.memory_space<vmem>> -> memref<32x128xf32, #tpu.memory_space<vmem>>
    %dma_start3A_93 = arith.constant 0 : i32
    %dma_start3A_94 = tpu.memref_slice %arg2[%dma_start3A_93, %multiple_of3A_86] : memref<32x1000000xf32, #tpu.memory_space<hbm>> -> memref<32x128xf32, #tpu.memory_space<hbm>>
    %dma_start3A_95 = arith.constant 0 : i32
    %dma_start3A_96 = tpu.memref_slice %arg6[%dma_start3A_95, %add3A_90] : memref<32x2048xf32, #tpu.memory_space<vmem>> -> memref<32x128xf32, #tpu.memory_space<vmem>>
    %dma_start3A_97 = arith.constant 0 : i32
    %dma_start3A_98 = tpu.memref_slice %arg2[%dma_start3A_97, %multiple_of3A_86] : memref<32x1000000xf32, #tpu.memory_space<hbm>> -> memref<32x128xf32, #tpu.memory_space<hbm>>
    tpu.enqueue_dma source(%dma_start3A_98 : memref<32x128xf32, #tpu.memory_space<hbm>>) target(%dma_start3A_96 : memref<32x128xf32, #tpu.memory_space<vmem>>) target_semaphore(%arg8 : memref<!tpu.dma_semaphore, #tpu.memory_space<semaphore_mem>>)
    %slice3A_99 = vector.extract_strided_slice %shift_left3A_12 {offsets = [6], sizes = [1], strides = [1]} : vector<16xi32> to vector<1xi32>
    %squeeze3A_100 = vector.extract %slice3A_99[0] : i32 from vector<1xi32>
    %multiple_of3A_101 = tpu.assume_multiple %squeeze3A_100, 128 : i32
    %mul3A_102 = arith.constant 1024 : i32
    %mul3A_103 = arith.muli %rem3A_7, %mul3A_102 : i32
    %add3A_104 = arith.constant 768 : i32
    %add3A_105 = arith.addi %mul3A_103, %add3A_104 : i32
    %dma_start3A_106 = arith.constant 0 : i32
    %dma_start3A_107 = tpu.memref_slice %arg6[%dma_start3A_106, %add3A_105] : memref<32x2048xf32, #tpu.memory_space<vmem>> -> memref<32x128xf32, #tpu.memory_space<vmem>>
    %dma_start3A_108 = arith.constant 0 : i32
    %dma_start3A_109 = tpu.memref_slice %arg2[%dma_start3A_108, %multiple_of3A_101] : memref<32x1000000xf32, #tpu.memory_space<hbm>> -> memref<32x128xf32, #tpu.memory_space<hbm>>
    %dma_start3A_110 = arith.constant 0 : i32
    %dma_start3A_111 = tpu.memref_slice %arg6[%dma_start3A_110, %add3A_105] : memref<32x2048xf32, #tpu.memory_space<vmem>> -> memref<32x128xf32, #tpu.memory_space<vmem>>
    %dma_start3A_112 = arith.constant 0 : i32
    %dma_start3A_113 = tpu.memref_slice %arg2[%dma_start3A_112, %multiple_of3A_101] : memref<32x1000000xf32, #tpu.memory_space<hbm>> -> memref<32x128xf32, #tpu.memory_space<hbm>>
    tpu.enqueue_dma source(%dma_start3A_113 : memref<32x128xf32, #tpu.memory_space<hbm>>) target(%dma_start3A_111 : memref<32x128xf32, #tpu.memory_space<vmem>>) target_semaphore(%arg8 : memref<!tpu.dma_semaphore, #tpu.memory_space<semaphore_mem>>)
    %slice3A_114 = vector.extract_strided_slice %shift_left3A_12 {offsets = [7], sizes = [1], strides = [1]} : vector<16xi32> to vector<1xi32>
    %squeeze3A_115 = vector.extract %slice3A_114[0] : i32 from vector<1xi32>
    %multiple_of3A_116 = tpu.assume_multiple %squeeze3A_115, 128 : i32
    %mul3A_117 = arith.constant 1024 : i32
    %mul3A_118 = arith.muli %rem3A_7, %mul3A_117 : i32
    %add3A_119 = arith.constant 896 : i32
    %add3A_120 = arith.addi %mul3A_118, %add3A_119 : i32
    %dma_start3A_121 = arith.constant 0 : i32
    %dma_start3A_122 = tpu.memref_slice %arg6[%dma_start3A_121, %add3A_120] : memref<32x2048xf32, #tpu.memory_space<vmem>> -> memref<32x128xf32, #tpu.memory_space<vmem>>
    %dma_start3A_123 = arith.constant 0 : i32
    %dma_start3A_124 = tpu.memref_slice %arg2[%dma_start3A_123, %multiple_of3A_116] : memref<32x1000000xf32, #tpu.memory_space<hbm>> -> memref<32x128xf32, #tpu.memory_space<hbm>>
    %dma_start3A_125 = arith.constant 0 : i32
    %dma_start3A_126 = tpu.memref_slice %arg6[%dma_start3A_125, %add3A_120] : memref<32x2048xf32, #tpu.memory_space<vmem>> -> memref<32x128xf32, #tpu.memory_space<vmem>>
    %dma_start3A_127 = arith.constant 0 : i32
    %dma_start3A_128 = tpu.memref_slice %arg2[%dma_start3A_127, %multiple_of3A_116] : memref<32x1000000xf32, #tpu.memory_space<hbm>> -> memref<32x128xf32, #tpu.memory_space<hbm>>
    tpu.enqueue_dma source(%dma_start3A_128 : memref<32x128xf32, #tpu.memory_space<hbm>>) target(%dma_start3A_126 : memref<32x128xf32, #tpu.memory_space<vmem>>) target_semaphore(%arg8 : memref<!tpu.dma_semaphore, #tpu.memory_space<semaphore_mem>>)
    %scan3A = arith.constant 0 : i32
    %scan3A_129 = arith.constant 63 : i32
    %scan3A_130 = arith.addi %scan3A, %scan3A_129 : i32
    %scan3A_131 = arith.constant 1 : i32
    scf.for %scan3A_285 = %scan3A to %scan3A_130 step %scan3A_131  : i32 {
      %rem3A_286 = arith.constant 2 : i32
      %rem3A_287 = arith.remsi %scan3A_285, %rem3A_286 : i32
      %eq3A_288 = arith.constant 0 : i32
      %eq3A_289 = arith.cmpi eq, %rem3A_287, %eq3A_288 : i32
      %convert_element_type3A_290 = arith.extui %eq3A_289 : i1 to i32
      %cond3A_291 = arith.constant 0 : i32
      %cond3A_292 = arith.cmpi ne, %convert_element_type3A_290, %cond3A_291 : i32
      scf.if %cond3A_292 {
        %add3A_487 = arith.constant 1 : i32
        %add3A_488 = arith.addi %scan3A_285, %add3A_487 : i32
        %rem3A_489 = arith.constant 2 : i32
        %rem3A_490 = arith.remsi %add3A_488, %rem3A_489 : i32
        %mul3A_491 = arith.constant 8 : i32
        %mul3A_492 = arith.muli %add3A_488, %mul3A_491 : i32
        %get3A_493 = arith.index_cast %mul3A_492 : i32 to index
        %get3A_494 = tpu.vector_load %arg5[%get3A_493] {strides = array<i32>} : memref<528xi32, #tpu.memory_space<vmem>>, vector<16xi32>,
        %shift_right_arithmetic3A_495 = arith.constant 7 : i32
        %shift_right_arithmetic3A_496 = vector.broadcast %shift_right_arithmetic3A_495 : i32 to vector<16xi32>
        %shift_right_arithmetic3A_497 = arith.shrsi %get3A_494, %shift_right_arithmetic3A_496 : vector<16xi32>
        %shift_left3A_498 = arith.constant 7 : i32
        %shift_left3A_499 = vector.broadcast %shift_left3A_498 : i32 to vector<16xi32>
        %shift_left3A_500 = arith.shli %shift_right_arithmetic3A_497, %shift_left3A_499 : vector<16xi32>
        %slice3A_501 = vector.extract_strided_slice %shift_left3A_500 {offsets = [0], sizes = [1], strides = [1]} : vector<16xi32> to vector<1xi32>
        %squeeze3A_502 = vector.extract %slice3A_501[0] : i32 from vector<1xi32>
        %multiple_of3A_503 = tpu.assume_multiple %squeeze3A_502, 128 : i32
        %mul3A_504 = arith.constant 1024 : i32
        %mul3A_505 = arith.muli %rem3A_490, %mul3A_504 : i32
        %add3A_506 = arith.constant 0 : i32
        %add3A_507 = arith.addi %mul3A_505, %add3A_506 : i32
        %dma_start3A_508 = arith.constant 0 : i32
        %dma_start3A_509 = tpu.memref_slice %arg6[%dma_start3A_508, %add3A_507] : memref<32x2048xf32, #tpu.memory_space<vmem>> -> memref<32x128xf32, #tpu.memory_space<vmem>>
        %dma_start3A_510 = arith.constant 0 : i32
        %dma_start3A_511 = tpu.memref_slice %arg2[%dma_start3A_510, %multiple_of3A_503] : memref<32x1000000xf32, #tpu.memory_space<hbm>> -> memref<32x128xf32, #tpu.memory_space<hbm>>
        %dma_start3A_512 = arith.constant 0 : i32
        %dma_start3A_513 = tpu.memref_slice %arg6[%dma_start3A_512, %add3A_507] : memref<32x2048xf32, #tpu.memory_space<vmem>> -> memref<32x128xf32, #tpu.memory_space<vmem>>
        %dma_start3A_514 = arith.constant 0 : i32
        %dma_start3A_515 = tpu.memref_slice %arg2[%dma_start3A_514, %multiple_of3A_503] : memref<32x1000000xf32, #tpu.memory_space<hbm>> -> memref<32x128xf32, #tpu.memory_space<hbm>>
        tpu.enqueue_dma source(%dma_start3A_515 : memref<32x128xf32, #tpu.memory_space<hbm>>) target(%dma_start3A_513 : memref<32x128xf32, #tpu.memory_space<vmem>>) target_semaphore(%arg9 : memref<!tpu.dma_semaphore, #tpu.memory_space<semaphore_mem>>)
        %slice3A_516 = vector.extract_strided_slice %shift_left3A_500 {offsets = [1], sizes = [1], strides = [1]} : vector<16xi32> to vector<1xi32>
        %squeeze3A_517 = vector.extract %slice3A_516[0] : i32 from vector<1xi32>
        %multiple_of3A_518 = tpu.assume_multiple %squeeze3A_517, 128 : i32
        %mul3A_519 = arith.constant 1024 : i32
        %mul3A_520 = arith.muli %rem3A_490, %mul3A_519 : i32
        %add3A_521 = arith.constant 128 : i32
        %add3A_522 = arith.addi %mul3A_520, %add3A_521 : i32
        %dma_start3A_523 = arith.constant 0 : i32
        %dma_start3A_524 = tpu.memref_slice %arg6[%dma_start3A_523, %add3A_522] : memref<32x2048xf32, #tpu.memory_space<vmem>> -> memref<32x128xf32, #tpu.memory_space<vmem>>
        %dma_start3A_525 = arith.constant 0 : i32
        %dma_start3A_526 = tpu.memref_slice %arg2[%dma_start3A_525, %multiple_of3A_518] : memref<32x1000000xf32, #tpu.memory_space<hbm>> -> memref<32x128xf32, #tpu.memory_space<hbm>>
        %dma_start3A_527 = arith.constant 0 : i32
        %dma_start3A_528 = tpu.memref_slice %arg6[%dma_start3A_527, %add3A_522] : memref<32x2048xf32, #tpu.memory_space<vmem>> -> memref<32x128xf32, #tpu.memory_space<vmem>>
        %dma_start3A_529 = arith.constant 0 : i32
        %dma_start3A_530 = tpu.memref_slice %arg2[%dma_start3A_529, %multiple_of3A_518] : memref<32x1000000xf32, #tpu.memory_space<hbm>> -> memref<32x128xf32, #tpu.memory_space<hbm>>
        tpu.enqueue_dma source(%dma_start3A_530 : memref<32x128xf32, #tpu.memory_space<hbm>>) target(%dma_start3A_528 : memref<32x128xf32, #tpu.memory_space<vmem>>) target_semaphore(%arg9 : memref<!tpu.dma_semaphore, #tpu.memory_space<semaphore_mem>>)
        %slice3A_531 = vector.extract_strided_slice %shift_left3A_500 {offsets = [2], sizes = [1], strides = [1]} : vector<16xi32> to vector<1xi32>
        %squeeze3A_532 = vector.extract %slice3A_531[0] : i32 from vector<1xi32>
        %multiple_of3A_533 = tpu.assume_multiple %squeeze3A_532, 128 : i32
        %mul3A_534 = arith.constant 1024 : i32
        %mul3A_535 = arith.muli %rem3A_490, %mul3A_534 : i32
        %add3A_536 = arith.constant 256 : i32
        %add3A_537 = arith.addi %mul3A_535, %add3A_536 : i32
        %dma_start3A_538 = arith.constant 0 : i32
        %dma_start3A_539 = tpu.memref_slice %arg6[%dma_start3A_538, %add3A_537] : memref<32x2048xf32, #tpu.memory_space<vmem>> -> memref<32x128xf32, #tpu.memory_space<vmem>>
        %dma_start3A_540 = arith.constant 0 : i32
        %dma_start3A_541 = tpu.memref_slice %arg2[%dma_start3A_540, %multiple_of3A_533] : memref<32x1000000xf32, #tpu.memory_space<hbm>> -> memref<32x128xf32, #tpu.memory_space<hbm>>
        %dma_start3A_542 = arith.constant 0 : i32
        %dma_start3A_543 = tpu.memref_slice %arg6[%dma_start3A_542, %add3A_537] : memref<32x2048xf32, #tpu.memory_space<vmem>> -> memref<32x128xf32, #tpu.memory_space<vmem>>
        %dma_start3A_544 = arith.constant 0 : i32
        %dma_start3A_545 = tpu.memref_slice %arg2[%dma_start3A_544, %multiple_of3A_533] : memref<32x1000000xf32, #tpu.memory_space<hbm>> -> memref<32x128xf32, #tpu.memory_space<hbm>>
        tpu.enqueue_dma source(%dma_start3A_545 : memref<32x128xf32, #tpu.memory_space<hbm>>) target(%dma_start3A_543 : memref<32x128xf32, #tpu.memory_space<vmem>>) target_semaphore(%arg9 : memref<!tpu.dma_semaphore, #tpu.memory_space<semaphore_mem>>)
        %slice3A_546 = vector.extract_strided_slice %shift_left3A_500 {offsets = [3], sizes = [1], strides = [1]} : vector<16xi32> to vector<1xi32>
        %squeeze3A_547 = vector.extract %slice3A_546[0] : i32 from vector<1xi32>
        %multiple_of3A_548 = tpu.assume_multiple %squeeze3A_547, 128 : i32
        %mul3A_549 = arith.constant 1024 : i32
        %mul3A_550 = arith.muli %rem3A_490, %mul3A_549 : i32
        %add3A_551 = arith.constant 384 : i32
        %add3A_552 = arith.addi %mul3A_550, %add3A_551 : i32
        %dma_start3A_553 = arith.constant 0 : i32
        %dma_start3A_554 = tpu.memref_slice %arg6[%dma_start3A_553, %add3A_552] : memref<32x2048xf32, #tpu.memory_space<vmem>> -> memref<32x128xf32, #tpu.memory_space<vmem>>
        %dma_start3A_555 = arith.constant 0 : i32
        %dma_start3A_556 = tpu.memref_slice %arg2[%dma_start3A_555, %multiple_of3A_548] : memref<32x1000000xf32, #tpu.memory_space<hbm>> -> memref<32x128xf32, #tpu.memory_space<hbm>>
        %dma_start3A_557 = arith.constant 0 : i32
        %dma_start3A_558 = tpu.memref_slice %arg6[%dma_start3A_557, %add3A_552] : memref<32x2048xf32, #tpu.memory_space<vmem>> -> memref<32x128xf32, #tpu.memory_space<vmem>>
        %dma_start3A_559 = arith.constant 0 : i32
        %dma_start3A_560 = tpu.memref_slice %arg2[%dma_start3A_559, %multiple_of3A_548] : memref<32x1000000xf32, #tpu.memory_space<hbm>> -> memref<32x128xf32, #tpu.memory_space<hbm>>
        tpu.enqueue_dma source(%dma_start3A_560 : memref<32x128xf32, #tpu.memory_space<hbm>>) target(%dma_start3A_558 : memref<32x128xf32, #tpu.memory_space<vmem>>) target_semaphore(%arg9 : memref<!tpu.dma_semaphore, #tpu.memory_space<semaphore_mem>>)
        %slice3A_561 = vector.extract_strided_slice %shift_left3A_500 {offsets = [4], sizes = [1], strides = [1]} : vector<16xi32> to vector<1xi32>
        %squeeze3A_562 = vector.extract %slice3A_561[0] : i32 from vector<1xi32>
        %multiple_of3A_563 = tpu.assume_multiple %squeeze3A_562, 128 : i32
        %mul3A_564 = arith.constant 1024 : i32
        %mul3A_565 = arith.muli %rem3A_490, %mul3A_564 : i32
        %add3A_566 = arith.constant 512 : i32
        %add3A_567 = arith.addi %mul3A_565, %add3A_566 : i32
        %dma_start3A_568 = arith.constant 0 : i32
        %dma_start3A_569 = tpu.memref_slice %arg6[%dma_start3A_568, %add3A_567] : memref<32x2048xf32, #tpu.memory_space<vmem>> -> memref<32x128xf32, #tpu.memory_space<vmem>>
        %dma_start3A_570 = arith.constant 0 : i32
        %dma_start3A_571 = tpu.memref_slice %arg2[%dma_start3A_570, %multiple_of3A_563] : memref<32x1000000xf32, #tpu.memory_space<hbm>> -> memref<32x128xf32, #tpu.memory_space<hbm>>
        %dma_start3A_572 = arith.constant 0 : i32
        %dma_start3A_573 = tpu.memref_slice %arg6[%dma_start3A_572, %add3A_567] : memref<32x2048xf32, #tpu.memory_space<vmem>> -> memref<32x128xf32, #tpu.memory_space<vmem>>
        %dma_start3A_574 = arith.constant 0 : i32
        %dma_start3A_575 = tpu.memref_slice %arg2[%dma_start3A_574, %multiple_of3A_563] : memref<32x1000000xf32, #tpu.memory_space<hbm>> -> memref<32x128xf32, #tpu.memory_space<hbm>>
        tpu.enqueue_dma source(%dma_start3A_575 : memref<32x128xf32, #tpu.memory_space<hbm>>) target(%dma_start3A_573 : memref<32x128xf32, #tpu.memory_space<vmem>>) target_semaphore(%arg9 : memref<!tpu.dma_semaphore, #tpu.memory_space<semaphore_mem>>)
        %slice3A_576 = vector.extract_strided_slice %shift_left3A_500 {offsets = [5], sizes = [1], strides = [1]} : vector<16xi32> to vector<1xi32>
        %squeeze3A_577 = vector.extract %slice3A_576[0] : i32 from vector<1xi32>
        %multiple_of3A_578 = tpu.assume_multiple %squeeze3A_577, 128 : i32
        %mul3A_579 = arith.constant 1024 : i32
        %mul3A_580 = arith.muli %rem3A_490, %mul3A_579 : i32
        %add3A_581 = arith.constant 640 : i32
        %add3A_582 = arith.addi %mul3A_580, %add3A_581 : i32
        %dma_start3A_583 = arith.constant 0 : i32
        %dma_start3A_584 = tpu.memref_slice %arg6[%dma_start3A_583, %add3A_582] : memref<32x2048xf32, #tpu.memory_space<vmem>> -> memref<32x128xf32, #tpu.memory_space<vmem>>
        %dma_start3A_585 = arith.constant 0 : i32
        %dma_start3A_586 = tpu.memref_slice %arg2[%dma_start3A_585, %multiple_of3A_578] : memref<32x1000000xf32, #tpu.memory_space<hbm>> -> memref<32x128xf32, #tpu.memory_space<hbm>>
        %dma_start3A_587 = arith.constant 0 : i32
        %dma_start3A_588 = tpu.memref_slice %arg6[%dma_start3A_587, %add3A_582] : memref<32x2048xf32, #tpu.memory_space<vmem>> -> memref<32x128xf32, #tpu.memory_space<vmem>>
        %dma_start3A_589 = arith.constant 0 : i32
        %dma_start3A_590 = tpu.memref_slice %arg2[%dma_start3A_589, %multiple_of3A_578] : memref<32x1000000xf32, #tpu.memory_space<hbm>> -> memref<32x128xf32, #tpu.memory_space<hbm>>
        tpu.enqueue_dma source(%dma_start3A_590 : memref<32x128xf32, #tpu.memory_space<hbm>>) target(%dma_start3A_588 : memref<32x128xf32, #tpu.memory_space<vmem>>) target_semaphore(%arg9 : memref<!tpu.dma_semaphore, #tpu.memory_space<semaphore_mem>>)
        %slice3A_591 = vector.extract_strided_slice %shift_left3A_500 {offsets = [6], sizes = [1], strides = [1]} : vector<16xi32> to vector<1xi32>
        %squeeze3A_592 = vector.extract %slice3A_591[0] : i32 from vector<1xi32>
        %multiple_of3A_593 = tpu.assume_multiple %squeeze3A_592, 128 : i32
        %mul3A_594 = arith.constant 1024 : i32
        %mul3A_595 = arith.muli %rem3A_490, %mul3A_594 : i32
        %add3A_596 = arith.constant 768 : i32
        %add3A_597 = arith.addi %mul3A_595, %add3A_596 : i32
        %dma_start3A_598 = arith.constant 0 : i32
        %dma_start3A_599 = tpu.memref_slice %arg6[%dma_start3A_598, %add3A_597] : memref<32x2048xf32, #tpu.memory_space<vmem>> -> memref<32x128xf32, #tpu.memory_space<vmem>>
        %dma_start3A_600 = arith.constant 0 : i32
        %dma_start3A_601 = tpu.memref_slice %arg2[%dma_start3A_600, %multiple_of3A_593] : memref<32x1000000xf32, #tpu.memory_space<hbm>> -> memref<32x128xf32, #tpu.memory_space<hbm>>
        %dma_start3A_602 = arith.constant 0 : i32
        %dma_start3A_603 = tpu.memref_slice %arg6[%dma_start3A_602, %add3A_597] : memref<32x2048xf32, #tpu.memory_space<vmem>> -> memref<32x128xf32, #tpu.memory_space<vmem>>
        %dma_start3A_604 = arith.constant 0 : i32
        %dma_start3A_605 = tpu.memref_slice %arg2[%dma_start3A_604, %multiple_of3A_593] : memref<32x1000000xf32, #tpu.memory_space<hbm>> -> memref<32x128xf32, #tpu.memory_space<hbm>>
        tpu.enqueue_dma source(%dma_start3A_605 : memref<32x128xf32, #tpu.memory_space<hbm>>) target(%dma_start3A_603 : memref<32x128xf32, #tpu.memory_space<vmem>>) target_semaphore(%arg9 : memref<!tpu.dma_semaphore, #tpu.memory_space<semaphore_mem>>)
        %slice3A_606 = vector.extract_strided_slice %shift_left3A_500 {offsets = [7], sizes = [1], strides = [1]} : vector<16xi32> to vector<1xi32>
        %squeeze3A_607 = vector.extract %slice3A_606[0] : i32 from vector<1xi32>
        %multiple_of3A_608 = tpu.assume_multiple %squeeze3A_607, 128 : i32
        %mul3A_609 = arith.constant 1024 : i32
        %mul3A_610 = arith.muli %rem3A_490, %mul3A_609 : i32
        %add3A_611 = arith.constant 896 : i32
        %add3A_612 = arith.addi %mul3A_610, %add3A_611 : i32
        %dma_start3A_613 = arith.constant 0 : i32
        %dma_start3A_614 = tpu.memref_slice %arg6[%dma_start3A_613, %add3A_612] : memref<32x2048xf32, #tpu.memory_space<vmem>> -> memref<32x128xf32, #tpu.memory_space<vmem>>
        %dma_start3A_615 = arith.constant 0 : i32
        %dma_start3A_616 = tpu.memref_slice %arg2[%dma_start3A_615, %multiple_of3A_608] : memref<32x1000000xf32, #tpu.memory_space<hbm>> -> memref<32x128xf32, #tpu.memory_space<hbm>>
        %dma_start3A_617 = arith.constant 0 : i32
        %dma_start3A_618 = tpu.memref_slice %arg6[%dma_start3A_617, %add3A_612] : memref<32x2048xf32, #tpu.memory_space<vmem>> -> memref<32x128xf32, #tpu.memory_space<vmem>>
        %dma_start3A_619 = arith.constant 0 : i32
        %dma_start3A_620 = tpu.memref_slice %arg2[%dma_start3A_619, %multiple_of3A_608] : memref<32x1000000xf32, #tpu.memory_space<hbm>> -> memref<32x128xf32, #tpu.memory_space<hbm>>
        tpu.enqueue_dma source(%dma_start3A_620 : memref<32x128xf32, #tpu.memory_space<hbm>>) target(%dma_start3A_618 : memref<32x128xf32, #tpu.memory_space<vmem>>) target_semaphore(%arg9 : memref<!tpu.dma_semaphore, #tpu.memory_space<semaphore_mem>>)
        %dma_wait3A = arith.constant 0 : i32
        %dma_wait3A_621 = arith.constant 0 : i32
        %dma_wait3A_622 = tpu.memref_slice %arg6[%dma_wait3A, %dma_wait3A_621] : memref<32x2048xf32, #tpu.memory_space<vmem>> -> memref<32x128xf32, #tpu.memory_space<vmem>>
        %dma_wait3A_623 = arith.constant 0 : i32
        %dma_wait3A_624 = arith.constant 0 : i32
        %dma_wait3A_625 = tpu.memref_slice %arg2[%dma_wait3A_623, %dma_wait3A_624] : memref<32x1000000xf32, #tpu.memory_space<hbm>> -> memref<32x128xf32, #tpu.memory_space<hbm>>
        %dma_wait3A_626 = arith.constant 0 : i32
        %dma_wait3A_627 = arith.constant 0 : i32
        %dma_wait3A_628 = tpu.memref_slice %arg6[%dma_wait3A_626, %dma_wait3A_627] : memref<32x2048xf32, #tpu.memory_space<vmem>> -> memref<32x128xf32, #tpu.memory_space<vmem>>
        %dma_wait3A_629 = arith.constant 0 : i32
        %dma_wait3A_630 = arith.constant 0 : i32
        %dma_wait3A_631 = tpu.memref_slice %arg2[%dma_wait3A_629, %dma_wait3A_630] : memref<32x1000000xf32, #tpu.memory_space<hbm>> -> memref<32x128xf32, #tpu.memory_space<hbm>>
        tpu.wait_dma2 semaphore(%arg8 : memref<!tpu.dma_semaphore, #tpu.memory_space<semaphore_mem>>) src(%dma_wait3A_631 : memref<32x128xf32, #tpu.memory_space<hbm>>) dst(%dma_wait3A_628 : memref<32x128xf32, #tpu.memory_space<vmem>>)
        %dma_wait3A_632 = arith.constant 0 : i32
        %dma_wait3A_633 = arith.constant 0 : i32
        %dma_wait3A_634 = tpu.memref_slice %arg6[%dma_wait3A_632, %dma_wait3A_633] : memref<32x2048xf32, #tpu.memory_space<vmem>> -> memref<32x128xf32, #tpu.memory_space<vmem>>
        %dma_wait3A_635 = arith.constant 0 : i32
        %dma_wait3A_636 = arith.constant 0 : i32
        %dma_wait3A_637 = tpu.memref_slice %arg2[%dma_wait3A_635, %dma_wait3A_636] : memref<32x1000000xf32, #tpu.memory_space<hbm>> -> memref<32x128xf32, #tpu.memory_space<hbm>>
        %dma_wait3A_638 = arith.constant 0 : i32
        %dma_wait3A_639 = arith.constant 0 : i32
        %dma_wait3A_640 = tpu.memref_slice %arg6[%dma_wait3A_638, %dma_wait3A_639] : memref<32x2048xf32, #tpu.memory_space<vmem>> -> memref<32x128xf32, #tpu.memory_space<vmem>>
        %dma_wait3A_641 = arith.constant 0 : i32
        %dma_wait3A_642 = arith.constant 0 : i32
        %dma_wait3A_643 = tpu.memref_slice %arg2[%dma_wait3A_641, %dma_wait3A_642] : memref<32x1000000xf32, #tpu.memory_space<hbm>> -> memref<32x128xf32, #tpu.memory_space<hbm>>
        tpu.wait_dma2 semaphore(%arg8 : memref<!tpu.dma_semaphore, #tpu.memory_space<semaphore_mem>>) src(%dma_wait3A_643 : memref<32x128xf32, #tpu.memory_space<hbm>>) dst(%dma_wait3A_640 : memref<32x128xf32, #tpu.memory_space<vmem>>)
        %dma_wait3A_644 = arith.constant 0 : i32
        %dma_wait3A_645 = arith.constant 0 : i32
        %dma_wait3A_646 = tpu.memref_slice %arg6[%dma_wait3A_644, %dma_wait3A_645] : memref<32x2048xf32, #tpu.memory_space<vmem>> -> memref<32x128xf32, #tpu.memory_space<vmem>>
        %dma_wait3A_647 = arith.constant 0 : i32
        %dma_wait3A_648 = arith.constant 0 : i32
        %dma_wait3A_649 = tpu.memref_slice %arg2[%dma_wait3A_647, %dma_wait3A_648] : memref<32x1000000xf32, #tpu.memory_space<hbm>> -> memref<32x128xf32, #tpu.memory_space<hbm>>
        %dma_wait3A_650 = arith.constant 0 : i32
        %dma_wait3A_651 = arith.constant 0 : i32
        %dma_wait3A_652 = tpu.memref_slice %arg6[%dma_wait3A_650, %dma_wait3A_651] : memref<32x2048xf32, #tpu.memory_space<vmem>> -> memref<32x128xf32, #tpu.memory_space<vmem>>
        %dma_wait3A_653 = arith.constant 0 : i32
        %dma_wait3A_654 = arith.constant 0 : i32
        %dma_wait3A_655 = tpu.memref_slice %arg2[%dma_wait3A_653, %dma_wait3A_654] : memref<32x1000000xf32, #tpu.memory_space<hbm>> -> memref<32x128xf32, #tpu.memory_space<hbm>>
        tpu.wait_dma2 semaphore(%arg8 : memref<!tpu.dma_semaphore, #tpu.memory_space<semaphore_mem>>) src(%dma_wait3A_655 : memref<32x128xf32, #tpu.memory_space<hbm>>) dst(%dma_wait3A_652 : memref<32x128xf32, #tpu.memory_space<vmem>>)
        %dma_wait3A_656 = arith.constant 0 : i32
        %dma_wait3A_657 = arith.constant 0 : i32
        %dma_wait3A_658 = tpu.memref_slice %arg6[%dma_wait3A_656, %dma_wait3A_657] : memref<32x2048xf32, #tpu.memory_space<vmem>> -> memref<32x128xf32, #tpu.memory_space<vmem>>
        %dma_wait3A_659 = arith.constant 0 : i32
        %dma_wait3A_660 = arith.constant 0 : i32
        %dma_wait3A_661 = tpu.memref_slice %arg2[%dma_wait3A_659, %dma_wait3A_660] : memref<32x1000000xf32, #tpu.memory_space<hbm>> -> memref<32x128xf32, #tpu.memory_space<hbm>>
        %dma_wait3A_662 = arith.constant 0 : i32
        %dma_wait3A_663 = arith.constant 0 : i32
        %dma_wait3A_664 = tpu.memref_slice %arg6[%dma_wait3A_662, %dma_wait3A_663] : memref<32x2048xf32, #tpu.memory_space<vmem>> -> memref<32x128xf32, #tpu.memory_space<vmem>>
        %dma_wait3A_665 = arith.constant 0 : i32
        %dma_wait3A_666 = arith.constant 0 : i32
        %dma_wait3A_667 = tpu.memref_slice %arg2[%dma_wait3A_665, %dma_wait3A_666] : memref<32x1000000xf32, #tpu.memory_space<hbm>> -> memref<32x128xf32, #tpu.memory_space<hbm>>
        tpu.wait_dma2 semaphore(%arg8 : memref<!tpu.dma_semaphore, #tpu.memory_space<semaphore_mem>>) src(%dma_wait3A_667 : memref<32x128xf32, #tpu.memory_space<hbm>>) dst(%dma_wait3A_664 : memref<32x128xf32, #tpu.memory_space<vmem>>)
        %dma_wait3A_668 = arith.constant 0 : i32
        %dma_wait3A_669 = arith.constant 0 : i32
        %dma_wait3A_670 = tpu.memref_slice %arg6[%dma_wait3A_668, %dma_wait3A_669] : memref<32x2048xf32, #tpu.memory_space<vmem>> -> memref<32x128xf32, #tpu.memory_space<vmem>>
        %dma_wait3A_671 = arith.constant 0 : i32
        %dma_wait3A_672 = arith.constant 0 : i32
        %dma_wait3A_673 = tpu.memref_slice %arg2[%dma_wait3A_671, %dma_wait3A_672] : memref<32x1000000xf32, #tpu.memory_space<hbm>> -> memref<32x128xf32, #tpu.memory_space<hbm>>
        %dma_wait3A_674 = arith.constant 0 : i32
        %dma_wait3A_675 = arith.constant 0 : i32
        %dma_wait3A_676 = tpu.memref_slice %arg6[%dma_wait3A_674, %dma_wait3A_675] : memref<32x2048xf32, #tpu.memory_space<vmem>> -> memref<32x128xf32, #tpu.memory_space<vmem>>
        %dma_wait3A_677 = arith.constant 0 : i32
        %dma_wait3A_678 = arith.constant 0 : i32
        %dma_wait3A_679 = tpu.memref_slice %arg2[%dma_wait3A_677, %dma_wait3A_678] : memref<32x1000000xf32, #tpu.memory_space<hbm>> -> memref<32x128xf32, #tpu.memory_space<hbm>>
        tpu.wait_dma2 semaphore(%arg8 : memref<!tpu.dma_semaphore, #tpu.memory_space<semaphore_mem>>) src(%dma_wait3A_679 : memref<32x128xf32, #tpu.memory_space<hbm>>) dst(%dma_wait3A_676 : memref<32x128xf32, #tpu.memory_space<vmem>>)
        %dma_wait3A_680 = arith.constant 0 : i32
        %dma_wait3A_681 = arith.constant 0 : i32
        %dma_wait3A_682 = tpu.memref_slice %arg6[%dma_wait3A_680, %dma_wait3A_681] : memref<32x2048xf32, #tpu.memory_space<vmem>> -> memref<32x128xf32, #tpu.memory_space<vmem>>
        %dma_wait3A_683 = arith.constant 0 : i32
        %dma_wait3A_684 = arith.constant 0 : i32
        %dma_wait3A_685 = tpu.memref_slice %arg2[%dma_wait3A_683, %dma_wait3A_684] : memref<32x1000000xf32, #tpu.memory_space<hbm>> -> memref<32x128xf32, #tpu.memory_space<hbm>>
        %dma_wait3A_686 = arith.constant 0 : i32
        %dma_wait3A_687 = arith.constant 0 : i32
        %dma_wait3A_688 = tpu.memref_slice %arg6[%dma_wait3A_686, %dma_wait3A_687] : memref<32x2048xf32, #tpu.memory_space<vmem>> -> memref<32x128xf32, #tpu.memory_space<vmem>>
        %dma_wait3A_689 = arith.constant 0 : i32
        %dma_wait3A_690 = arith.constant 0 : i32
        %dma_wait3A_691 = tpu.memref_slice %arg2[%dma_wait3A_689, %dma_wait3A_690] : memref<32x1000000xf32, #tpu.memory_space<hbm>> -> memref<32x128xf32, #tpu.memory_space<hbm>>
        tpu.wait_dma2 semaphore(%arg8 : memref<!tpu.dma_semaphore, #tpu.memory_space<semaphore_mem>>) src(%dma_wait3A_691 : memref<32x128xf32, #tpu.memory_space<hbm>>) dst(%dma_wait3A_688 : memref<32x128xf32, #tpu.memory_space<vmem>>)
        %dma_wait3A_692 = arith.constant 0 : i32
        %dma_wait3A_693 = arith.constant 0 : i32
        %dma_wait3A_694 = tpu.memref_slice %arg6[%dma_wait3A_692, %dma_wait3A_693] : memref<32x2048xf32, #tpu.memory_space<vmem>> -> memref<32x128xf32, #tpu.memory_space<vmem>>
        %dma_wait3A_695 = arith.constant 0 : i32
        %dma_wait3A_696 = arith.constant 0 : i32
        %dma_wait3A_697 = tpu.memref_slice %arg2[%dma_wait3A_695, %dma_wait3A_696] : memref<32x1000000xf32, #tpu.memory_space<hbm>> -> memref<32x128xf32, #tpu.memory_space<hbm>>
        %dma_wait3A_698 = arith.constant 0 : i32
        %dma_wait3A_699 = arith.constant 0 : i32
        %dma_wait3A_700 = tpu.memref_slice %arg6[%dma_wait3A_698, %dma_wait3A_699] : memref<32x2048xf32, #tpu.memory_space<vmem>> -> memref<32x128xf32, #tpu.memory_space<vmem>>
        %dma_wait3A_701 = arith.constant 0 : i32
        %dma_wait3A_702 = arith.constant 0 : i32
        %dma_wait3A_703 = tpu.memref_slice %arg2[%dma_wait3A_701, %dma_wait3A_702] : memref<32x1000000xf32, #tpu.memory_space<hbm>> -> memref<32x128xf32, #tpu.memory_space<hbm>>
        tpu.wait_dma2 semaphore(%arg8 : memref<!tpu.dma_semaphore, #tpu.memory_space<semaphore_mem>>) src(%dma_wait3A_703 : memref<32x128xf32, #tpu.memory_space<hbm>>) dst(%dma_wait3A_700 : memref<32x128xf32, #tpu.memory_space<vmem>>)
        %dma_wait3A_704 = arith.constant 0 : i32
        %dma_wait3A_705 = arith.constant 0 : i32
        %dma_wait3A_706 = tpu.memref_slice %arg6[%dma_wait3A_704, %dma_wait3A_705] : memref<32x2048xf32, #tpu.memory_space<vmem>> -> memref<32x128xf32, #tpu.memory_space<vmem>>
        %dma_wait3A_707 = arith.constant 0 : i32
        %dma_wait3A_708 = arith.constant 0 : i32
        %dma_wait3A_709 = tpu.memref_slice %arg2[%dma_wait3A_707, %dma_wait3A_708] : memref<32x1000000xf32, #tpu.memory_space<hbm>> -> memref<32x128xf32, #tpu.memory_space<hbm>>
        %dma_wait3A_710 = arith.constant 0 : i32
        %dma_wait3A_711 = arith.constant 0 : i32
        %dma_wait3A_712 = tpu.memref_slice %arg6[%dma_wait3A_710, %dma_wait3A_711] : memref<32x2048xf32, #tpu.memory_space<vmem>> -> memref<32x128xf32, #tpu.memory_space<vmem>>
        %dma_wait3A_713 = arith.constant 0 : i32
        %dma_wait3A_714 = arith.constant 0 : i32
        %dma_wait3A_715 = tpu.memref_slice %arg2[%dma_wait3A_713, %dma_wait3A_714] : memref<32x1000000xf32, #tpu.memory_space<hbm>> -> memref<32x128xf32, #tpu.memory_space<hbm>>
        tpu.wait_dma2 semaphore(%arg8 : memref<!tpu.dma_semaphore, #tpu.memory_space<semaphore_mem>>) src(%dma_wait3A_715 : memref<32x128xf32, #tpu.memory_space<hbm>>) dst(%dma_wait3A_712 : memref<32x128xf32, #tpu.memory_space<vmem>>)
      } else {
      }
      %eq3A_293 = arith.constant 1 : i32
      %eq3A_294 = arith.cmpi eq, %rem3A_287, %eq3A_293 : i32
      %convert_element_type3A_295 = arith.extui %eq3A_294 : i1 to i32
      %cond3A_296 = arith.constant 0 : i32
      %cond3A_297 = arith.cmpi ne, %convert_element_type3A_295, %cond3A_296 : i32
      scf.if %cond3A_297 {
        %add3A_487 = arith.constant 1 : i32
        %add3A_488 = arith.addi %scan3A_285, %add3A_487 : i32
        %rem3A_489 = arith.constant 2 : i32
        %rem3A_490 = arith.remsi %add3A_488, %rem3A_489 : i32
        %mul3A_491 = arith.constant 8 : i32
        %mul3A_492 = arith.muli %add3A_488, %mul3A_491 : i32
        %get3A_493 = arith.index_cast %mul3A_492 : i32 to index
        %get3A_494 = tpu.vector_load %arg5[%get3A_493] {strides = array<i32>} : memref<528xi32, #tpu.memory_space<vmem>>, vector<16xi32>,
        %shift_right_arithmetic3A_495 = arith.constant 7 : i32
        %shift_right_arithmetic3A_496 = vector.broadcast %shift_right_arithmetic3A_495 : i32 to vector<16xi32>
        %shift_right_arithmetic3A_497 = arith.shrsi %get3A_494, %shift_right_arithmetic3A_496 : vector<16xi32>
        %shift_left3A_498 = arith.constant 7 : i32
        %shift_left3A_499 = vector.broadcast %shift_left3A_498 : i32 to vector<16xi32>
        %shift_left3A_500 = arith.shli %shift_right_arithmetic3A_497, %shift_left3A_499 : vector<16xi32>
        %slice3A_501 = vector.extract_strided_slice %shift_left3A_500 {offsets = [0], sizes = [1], strides = [1]} : vector<16xi32> to vector<1xi32>
        %squeeze3A_502 = vector.extract %slice3A_501[0] : i32 from vector<1xi32>
        %multiple_of3A_503 = tpu.assume_multiple %squeeze3A_502, 128 : i32
        %mul3A_504 = arith.constant 1024 : i32
        %mul3A_505 = arith.muli %rem3A_490, %mul3A_504 : i32
        %add3A_506 = arith.constant 0 : i32
        %add3A_507 = arith.addi %mul3A_505, %add3A_506 : i32
        %dma_start3A_508 = arith.constant 0 : i32
        %dma_start3A_509 = tpu.memref_slice %arg6[%dma_start3A_508, %add3A_507] : memref<32x2048xf32, #tpu.memory_space<vmem>> -> memref<32x128xf32, #tpu.memory_space<vmem>>
        %dma_start3A_510 = arith.constant 0 : i32
        %dma_start3A_511 = tpu.memref_slice %arg2[%dma_start3A_510, %multiple_of3A_503] : memref<32x1000000xf32, #tpu.memory_space<hbm>> -> memref<32x128xf32, #tpu.memory_space<hbm>>
        %dma_start3A_512 = arith.constant 0 : i32
        %dma_start3A_513 = tpu.memref_slice %arg6[%dma_start3A_512, %add3A_507] : memref<32x2048xf32, #tpu.memory_space<vmem>> -> memref<32x128xf32, #tpu.memory_space<vmem>>
        %dma_start3A_514 = arith.constant 0 : i32
        %dma_start3A_515 = tpu.memref_slice %arg2[%dma_start3A_514, %multiple_of3A_503] : memref<32x1000000xf32, #tpu.memory_space<hbm>> -> memref<32x128xf32, #tpu.memory_space<hbm>>
        tpu.enqueue_dma source(%dma_start3A_515 : memref<32x128xf32, #tpu.memory_space<hbm>>) target(%dma_start3A_513 : memref<32x128xf32, #tpu.memory_space<vmem>>) target_semaphore(%arg8 : memref<!tpu.dma_semaphore, #tpu.memory_space<semaphore_mem>>)
        %slice3A_516 = vector.extract_strided_slice %shift_left3A_500 {offsets = [1], sizes = [1], strides = [1]} : vector<16xi32> to vector<1xi32>
        %squeeze3A_517 = vector.extract %slice3A_516[0] : i32 from vector<1xi32>
        %multiple_of3A_518 = tpu.assume_multiple %squeeze3A_517, 128 : i32
        %mul3A_519 = arith.constant 1024 : i32
        %mul3A_520 = arith.muli %rem3A_490, %mul3A_519 : i32
        %add3A_521 = arith.constant 128 : i32
        %add3A_522 = arith.addi %mul3A_520, %add3A_521 : i32
        %dma_start3A_523 = arith.constant 0 : i32
        %dma_start3A_524 = tpu.memref_slice %arg6[%dma_start3A_523, %add3A_522] : memref<32x2048xf32, #tpu.memory_space<vmem>> -> memref<32x128xf32, #tpu.memory_space<vmem>>
        %dma_start3A_525 = arith.constant 0 : i32
        %dma_start3A_526 = tpu.memref_slice %arg2[%dma_start3A_525, %multiple_of3A_518] : memref<32x1000000xf32, #tpu.memory_space<hbm>> -> memref<32x128xf32, #tpu.memory_space<hbm>>
        %dma_start3A_527 = arith.constant 0 : i32
        %dma_start3A_528 = tpu.memref_slice %arg6[%dma_start3A_527, %add3A_522] : memref<32x2048xf32, #tpu.memory_space<vmem>> -> memref<32x128xf32, #tpu.memory_space<vmem>>
        %dma_start3A_529 = arith.constant 0 : i32
        %dma_start3A_530 = tpu.memref_slice %arg2[%dma_start3A_529, %multiple_of3A_518] : memref<32x1000000xf32, #tpu.memory_space<hbm>> -> memref<32x128xf32, #tpu.memory_space<hbm>>
        tpu.enqueue_dma source(%dma_start3A_530 : memref<32x128xf32, #tpu.memory_space<hbm>>) target(%dma_start3A_528 : memref<32x128xf32, #tpu.memory_space<vmem>>) target_semaphore(%arg8 : memref<!tpu.dma_semaphore, #tpu.memory_space<semaphore_mem>>)
        %slice3A_531 = vector.extract_strided_slice %shift_left3A_500 {offsets = [2], sizes = [1], strides = [1]} : vector<16xi32> to vector<1xi32>
        %squeeze3A_532 = vector.extract %slice3A_531[0] : i32 from vector<1xi32>
        %multiple_of3A_533 = tpu.assume_multiple %squeeze3A_532, 128 : i32
        %mul3A_534 = arith.constant 1024 : i32
        %mul3A_535 = arith.muli %rem3A_490, %mul3A_534 : i32
        %add3A_536 = arith.constant 256 : i32
        %add3A_537 = arith.addi %mul3A_535, %add3A_536 : i32
        %dma_start3A_538 = arith.constant 0 : i32
        %dma_start3A_539 = tpu.memref_slice %arg6[%dma_start3A_538, %add3A_537] : memref<32x2048xf32, #tpu.memory_space<vmem>> -> memref<32x128xf32, #tpu.memory_space<vmem>>
        %dma_start3A_540 = arith.constant 0 : i32
        %dma_start3A_541 = tpu.memref_slice %arg2[%dma_start3A_540, %multiple_of3A_533] : memref<32x1000000xf32, #tpu.memory_space<hbm>> -> memref<32x128xf32, #tpu.memory_space<hbm>>
        %dma_start3A_542 = arith.constant 0 : i32
        %dma_start3A_543 = tpu.memref_slice %arg6[%dma_start3A_542, %add3A_537] : memref<32x2048xf32, #tpu.memory_space<vmem>> -> memref<32x128xf32, #tpu.memory_space<vmem>>
        %dma_start3A_544 = arith.constant 0 : i32
        %dma_start3A_545 = tpu.memref_slice %arg2[%dma_start3A_544, %multiple_of3A_533] : memref<32x1000000xf32, #tpu.memory_space<hbm>> -> memref<32x128xf32, #tpu.memory_space<hbm>>
        tpu.enqueue_dma source(%dma_start3A_545 : memref<32x128xf32, #tpu.memory_space<hbm>>) target(%dma_start3A_543 : memref<32x128xf32, #tpu.memory_space<vmem>>) target_semaphore(%arg8 : memref<!tpu.dma_semaphore, #tpu.memory_space<semaphore_mem>>)
        %slice3A_546 = vector.extract_strided_slice %shift_left3A_500 {offsets = [3], sizes = [1], strides = [1]} : vector<16xi32> to vector<1xi32>
        %squeeze3A_547 = vector.extract %slice3A_546[0] : i32 from vector<1xi32>
        %multiple_of3A_548 = tpu.assume_multiple %squeeze3A_547, 128 : i32
        %mul3A_549 = arith.constant 1024 : i32
        %mul3A_550 = arith.muli %rem3A_490, %mul3A_549 : i32
        %add3A_551 = arith.constant 384 : i32
        %add3A_552 = arith.addi %mul3A_550, %add3A_551 : i32
        %dma_start3A_553 = arith.constant 0 : i32
        %dma_start3A_554 = tpu.memref_slice %arg6[%dma_start3A_553, %add3A_552] : memref<32x2048xf32, #tpu.memory_space<vmem>> -> memref<32x128xf32, #tpu.memory_space<vmem>>
        %dma_start3A_555 = arith.constant 0 : i32
        %dma_start3A_556 = tpu.memref_slice %arg2[%dma_start3A_555, %multiple_of3A_548] : memref<32x1000000xf32, #tpu.memory_space<hbm>> -> memref<32x128xf32, #tpu.memory_space<hbm>>
        %dma_start3A_557 = arith.constant 0 : i32
        %dma_start3A_558 = tpu.memref_slice %arg6[%dma_start3A_557, %add3A_552] : memref<32x2048xf32, #tpu.memory_space<vmem>> -> memref<32x128xf32, #tpu.memory_space<vmem>>
        %dma_start3A_559 = arith.constant 0 : i32
        %dma_start3A_560 = tpu.memref_slice %arg2[%dma_start3A_559, %multiple_of3A_548] : memref<32x1000000xf32, #tpu.memory_space<hbm>> -> memref<32x128xf32, #tpu.memory_space<hbm>>
        tpu.enqueue_dma source(%dma_start3A_560 : memref<32x128xf32, #tpu.memory_space<hbm>>) target(%dma_start3A_558 : memref<32x128xf32, #tpu.memory_space<vmem>>) target_semaphore(%arg8 : memref<!tpu.dma_semaphore, #tpu.memory_space<semaphore_mem>>)
        %slice3A_561 = vector.extract_strided_slice %shift_left3A_500 {offsets = [4], sizes = [1], strides = [1]} : vector<16xi32> to vector<1xi32>
        %squeeze3A_562 = vector.extract %slice3A_561[0] : i32 from vector<1xi32>
        %multiple_of3A_563 = tpu.assume_multiple %squeeze3A_562, 128 : i32
        %mul3A_564 = arith.constant 1024 : i32
        %mul3A_565 = arith.muli %rem3A_490, %mul3A_564 : i32
        %add3A_566 = arith.constant 512 : i32
        %add3A_567 = arith.addi %mul3A_565, %add3A_566 : i32
        %dma_start3A_568 = arith.constant 0 : i32
        %dma_start3A_569 = tpu.memref_slice %arg6[%dma_start3A_568, %add3A_567] : memref<32x2048xf32, #tpu.memory_space<vmem>> -> memref<32x128xf32, #tpu.memory_space<vmem>>
        %dma_start3A_570 = arith.constant 0 : i32
        %dma_start3A_571 = tpu.memref_slice %arg2[%dma_start3A_570, %multiple_of3A_563] : memref<32x1000000xf32, #tpu.memory_space<hbm>> -> memref<32x128xf32, #tpu.memory_space<hbm>>
        %dma_start3A_572 = arith.constant 0 : i32
        %dma_start3A_573 = tpu.memref_slice %arg6[%dma_start3A_572, %add3A_567] : memref<32x2048xf32, #tpu.memory_space<vmem>> -> memref<32x128xf32, #tpu.memory_space<vmem>>
        %dma_start3A_574 = arith.constant 0 : i32
        %dma_start3A_575 = tpu.memref_slice %arg2[%dma_start3A_574, %multiple_of3A_563] : memref<32x1000000xf32, #tpu.memory_space<hbm>> -> memref<32x128xf32, #tpu.memory_space<hbm>>
        tpu.enqueue_dma source(%dma_start3A_575 : memref<32x128xf32, #tpu.memory_space<hbm>>) target(%dma_start3A_573 : memref<32x128xf32, #tpu.memory_space<vmem>>) target_semaphore(%arg8 : memref<!tpu.dma_semaphore, #tpu.memory_space<semaphore_mem>>)
        %slice3A_576 = vector.extract_strided_slice %shift_left3A_500 {offsets = [5], sizes = [1], strides = [1]} : vector<16xi32> to vector<1xi32>
        %squeeze3A_577 = vector.extract %slice3A_576[0] : i32 from vector<1xi32>
        %multiple_of3A_578 = tpu.assume_multiple %squeeze3A_577, 128 : i32
        %mul3A_579 = arith.constant 1024 : i32
        %mul3A_580 = arith.muli %rem3A_490, %mul3A_579 : i32
        %add3A_581 = arith.constant 640 : i32
        %add3A_582 = arith.addi %mul3A_580, %add3A_581 : i32
        %dma_start3A_583 = arith.constant 0 : i32
        %dma_start3A_584 = tpu.memref_slice %arg6[%dma_start3A_583, %add3A_582] : memref<32x2048xf32, #tpu.memory_space<vmem>> -> memref<32x128xf32, #tpu.memory_space<vmem>>
        %dma_start3A_585 = arith.constant 0 : i32
        %dma_start3A_586 = tpu.memref_slice %arg2[%dma_start3A_585, %multiple_of3A_578] : memref<32x1000000xf32, #tpu.memory_space<hbm>> -> memref<32x128xf32, #tpu.memory_space<hbm>>
        %dma_start3A_587 = arith.constant 0 : i32
        %dma_start3A_588 = tpu.memref_slice %arg6[%dma_start3A_587, %add3A_582] : memref<32x2048xf32, #tpu.memory_space<vmem>> -> memref<32x128xf32, #tpu.memory_space<vmem>>
        %dma_start3A_589 = arith.constant 0 : i32
        %dma_start3A_590 = tpu.memref_slice %arg2[%dma_start3A_589, %multiple_of3A_578] : memref<32x1000000xf32, #tpu.memory_space<hbm>> -> memref<32x128xf32, #tpu.memory_space<hbm>>
        tpu.enqueue_dma source(%dma_start3A_590 : memref<32x128xf32, #tpu.memory_space<hbm>>) target(%dma_start3A_588 : memref<32x128xf32, #tpu.memory_space<vmem>>) target_semaphore(%arg8 : memref<!tpu.dma_semaphore, #tpu.memory_space<semaphore_mem>>)
        %slice3A_591 = vector.extract_strided_slice %shift_left3A_500 {offsets = [6], sizes = [1], strides = [1]} : vector<16xi32> to vector<1xi32>
        %squeeze3A_592 = vector.extract %slice3A_591[0] : i32 from vector<1xi32>
        %multiple_of3A_593 = tpu.assume_multiple %squeeze3A_592, 128 : i32
        %mul3A_594 = arith.constant 1024 : i32
        %mul3A_595 = arith.muli %rem3A_490, %mul3A_594 : i32
        %add3A_596 = arith.constant 768 : i32
        %add3A_597 = arith.addi %mul3A_595, %add3A_596 : i32
        %dma_start3A_598 = arith.constant 0 : i32
        %dma_start3A_599 = tpu.memref_slice %arg6[%dma_start3A_598, %add3A_597] : memref<32x2048xf32, #tpu.memory_space<vmem>> -> memref<32x128xf32, #tpu.memory_space<vmem>>
        %dma_start3A_600 = arith.constant 0 : i32
        %dma_start3A_601 = tpu.memref_slice %arg2[%dma_start3A_600, %multiple_of3A_593] : memref<32x1000000xf32, #tpu.memory_space<hbm>> -> memref<32x128xf32, #tpu.memory_space<hbm>>
        %dma_start3A_602 = arith.constant 0 : i32
        %dma_start3A_603 = tpu.memref_slice %arg6[%dma_start3A_602, %add3A_597] : memref<32x2048xf32, #tpu.memory_space<vmem>> -> memref<32x128xf32, #tpu.memory_space<vmem>>
        %dma_start3A_604 = arith.constant 0 : i32
        %dma_start3A_605 = tpu.memref_slice %arg2[%dma_start3A_604, %multiple_of3A_593] : memref<32x1000000xf32, #tpu.memory_space<hbm>> -> memref<32x128xf32, #tpu.memory_space<hbm>>
        tpu.enqueue_dma source(%dma_start3A_605 : memref<32x128xf32, #tpu.memory_space<hbm>>) target(%dma_start3A_603 : memref<32x128xf32, #tpu.memory_space<vmem>>) target_semaphore(%arg8 : memref<!tpu.dma_semaphore, #tpu.memory_space<semaphore_mem>>)
        %slice3A_606 = vector.extract_strided_slice %shift_left3A_500 {offsets = [7], sizes = [1], strides = [1]} : vector<16xi32> to vector<1xi32>
        %squeeze3A_607 = vector.extract %slice3A_606[0] : i32 from vector<1xi32>
        %multiple_of3A_608 = tpu.assume_multiple %squeeze3A_607, 128 : i32
        %mul3A_609 = arith.constant 1024 : i32
        %mul3A_610 = arith.muli %rem3A_490, %mul3A_609 : i32
        %add3A_611 = arith.constant 896 : i32
        %add3A_612 = arith.addi %mul3A_610, %add3A_611 : i32
        %dma_start3A_613 = arith.constant 0 : i32
        %dma_start3A_614 = tpu.memref_slice %arg6[%dma_start3A_613, %add3A_612] : memref<32x2048xf32, #tpu.memory_space<vmem>> -> memref<32x128xf32, #tpu.memory_space<vmem>>
        %dma_start3A_615 = arith.constant 0 : i32
        %dma_start3A_616 = tpu.memref_slice %arg2[%dma_start3A_615, %multiple_of3A_608] : memref<32x1000000xf32, #tpu.memory_space<hbm>> -> memref<32x128xf32, #tpu.memory_space<hbm>>
        %dma_start3A_617 = arith.constant 0 : i32
        %dma_start3A_618 = tpu.memref_slice %arg6[%dma_start3A_617, %add3A_612] : memref<32x2048xf32, #tpu.memory_space<vmem>> -> memref<32x128xf32, #tpu.memory_space<vmem>>
        %dma_start3A_619 = arith.constant 0 : i32
        %dma_start3A_620 = tpu.memref_slice %arg2[%dma_start3A_619, %multiple_of3A_608] : memref<32x1000000xf32, #tpu.memory_space<hbm>> -> memref<32x128xf32, #tpu.memory_space<hbm>>
        tpu.enqueue_dma source(%dma_start3A_620 : memref<32x128xf32, #tpu.memory_space<hbm>>) target(%dma_start3A_618 : memref<32x128xf32, #tpu.memory_space<vmem>>) target_semaphore(%arg8 : memref<!tpu.dma_semaphore, #tpu.memory_space<semaphore_mem>>)
        %dma_wait3A = arith.constant 0 : i32
        %dma_wait3A_621 = arith.constant 0 : i32
        %dma_wait3A_622 = tpu.memref_slice %arg6[%dma_wait3A, %dma_wait3A_621] : memref<32x2048xf32, #tpu.memory_space<vmem>> -> memref<32x128xf32, #tpu.memory_space<vmem>>
        %dma_wait3A_623 = arith.constant 0 : i32
        %dma_wait3A_624 = arith.constant 0 : i32
        %dma_wait3A_625 = tpu.memref_slice %arg2[%dma_wait3A_623, %dma_wait3A_624] : memref<32x1000000xf32, #tpu.memory_space<hbm>> -> memref<32x128xf32, #tpu.memory_space<hbm>>
        %dma_wait3A_626 = arith.constant 0 : i32
        %dma_wait3A_627 = arith.constant 0 : i32
        %dma_wait3A_628 = tpu.memref_slice %arg6[%dma_wait3A_626, %dma_wait3A_627] : memref<32x2048xf32, #tpu.memory_space<vmem>> -> memref<32x128xf32, #tpu.memory_space<vmem>>
        %dma_wait3A_629 = arith.constant 0 : i32
        %dma_wait3A_630 = arith.constant 0 : i32
        %dma_wait3A_631 = tpu.memref_slice %arg2[%dma_wait3A_629, %dma_wait3A_630] : memref<32x1000000xf32, #tpu.memory_space<hbm>> -> memref<32x128xf32, #tpu.memory_space<hbm>>
        tpu.wait_dma2 semaphore(%arg9 : memref<!tpu.dma_semaphore, #tpu.memory_space<semaphore_mem>>) src(%dma_wait3A_631 : memref<32x128xf32, #tpu.memory_space<hbm>>) dst(%dma_wait3A_628 : memref<32x128xf32, #tpu.memory_space<vmem>>)
        %dma_wait3A_632 = arith.constant 0 : i32
        %dma_wait3A_633 = arith.constant 0 : i32
        %dma_wait3A_634 = tpu.memref_slice %arg6[%dma_wait3A_632, %dma_wait3A_633] : memref<32x2048xf32, #tpu.memory_space<vmem>> -> memref<32x128xf32, #tpu.memory_space<vmem>>
        %dma_wait3A_635 = arith.constant 0 : i32
        %dma_wait3A_636 = arith.constant 0 : i32
        %dma_wait3A_637 = tpu.memref_slice %arg2[%dma_wait3A_635, %dma_wait3A_636] : memref<32x1000000xf32, #tpu.memory_space<hbm>> -> memref<32x128xf32, #tpu.memory_space<hbm>>
        %dma_wait3A_638 = arith.constant 0 : i32
        %dma_wait3A_639 = arith.constant 0 : i32
        %dma_wait3A_640 = tpu.memref_slice %arg6[%dma_wait3A_638, %dma_wait3A_639] : memref<32x2048xf32, #tpu.memory_space<vmem>> -> memref<32x128xf32, #tpu.memory_space<vmem>>
        %dma_wait3A_641 = arith.constant 0 : i32
        %dma_wait3A_642 = arith.constant 0 : i32
        %dma_wait3A_643 = tpu.memref_slice %arg2[%dma_wait3A_641, %dma_wait3A_642] : memref<32x1000000xf32, #tpu.memory_space<hbm>> -> memref<32x128xf32, #tpu.memory_space<hbm>>
        tpu.wait_dma2 semaphore(%arg9 : memref<!tpu.dma_semaphore, #tpu.memory_space<semaphore_mem>>) src(%dma_wait3A_643 : memref<32x128xf32, #tpu.memory_space<hbm>>) dst(%dma_wait3A_640 : memref<32x128xf32, #tpu.memory_space<vmem>>)
        %dma_wait3A_644 = arith.constant 0 : i32
        %dma_wait3A_645 = arith.constant 0 : i32
        %dma_wait3A_646 = tpu.memref_slice %arg6[%dma_wait3A_644, %dma_wait3A_645] : memref<32x2048xf32, #tpu.memory_space<vmem>> -> memref<32x128xf32, #tpu.memory_space<vmem>>
        %dma_wait3A_647 = arith.constant 0 : i32
        %dma_wait3A_648 = arith.constant 0 : i32
        %dma_wait3A_649 = tpu.memref_slice %arg2[%dma_wait3A_647, %dma_wait3A_648] : memref<32x1000000xf32, #tpu.memory_space<hbm>> -> memref<32x128xf32, #tpu.memory_space<hbm>>
        %dma_wait3A_650 = arith.constant 0 : i32
        %dma_wait3A_651 = arith.constant 0 : i32
        %dma_wait3A_652 = tpu.memref_slice %arg6[%dma_wait3A_650, %dma_wait3A_651] : memref<32x2048xf32, #tpu.memory_space<vmem>> -> memref<32x128xf32, #tpu.memory_space<vmem>>
        %dma_wait3A_653 = arith.constant 0 : i32
        %dma_wait3A_654 = arith.constant 0 : i32
        %dma_wait3A_655 = tpu.memref_slice %arg2[%dma_wait3A_653, %dma_wait3A_654] : memref<32x1000000xf32, #tpu.memory_space<hbm>> -> memref<32x128xf32, #tpu.memory_space<hbm>>
        tpu.wait_dma2 semaphore(%arg9 : memref<!tpu.dma_semaphore, #tpu.memory_space<semaphore_mem>>) src(%dma_wait3A_655 : memref<32x128xf32, #tpu.memory_space<hbm>>) dst(%dma_wait3A_652 : memref<32x128xf32, #tpu.memory_space<vmem>>)
        %dma_wait3A_656 = arith.constant 0 : i32
        %dma_wait3A_657 = arith.constant 0 : i32
        %dma_wait3A_658 = tpu.memref_slice %arg6[%dma_wait3A_656, %dma_wait3A_657] : memref<32x2048xf32, #tpu.memory_space<vmem>> -> memref<32x128xf32, #tpu.memory_space<vmem>>
        %dma_wait3A_659 = arith.constant 0 : i32
        %dma_wait3A_660 = arith.constant 0 : i32
        %dma_wait3A_661 = tpu.memref_slice %arg2[%dma_wait3A_659, %dma_wait3A_660] : memref<32x1000000xf32, #tpu.memory_space<hbm>> -> memref<32x128xf32, #tpu.memory_space<hbm>>
        %dma_wait3A_662 = arith.constant 0 : i32
        %dma_wait3A_663 = arith.constant 0 : i32
        %dma_wait3A_664 = tpu.memref_slice %arg6[%dma_wait3A_662, %dma_wait3A_663] : memref<32x2048xf32, #tpu.memory_space<vmem>> -> memref<32x128xf32, #tpu.memory_space<vmem>>
        %dma_wait3A_665 = arith.constant 0 : i32
        %dma_wait3A_666 = arith.constant 0 : i32
        %dma_wait3A_667 = tpu.memref_slice %arg2[%dma_wait3A_665, %dma_wait3A_666] : memref<32x1000000xf32, #tpu.memory_space<hbm>> -> memref<32x128xf32, #tpu.memory_space<hbm>>
        tpu.wait_dma2 semaphore(%arg9 : memref<!tpu.dma_semaphore, #tpu.memory_space<semaphore_mem>>) src(%dma_wait3A_667 : memref<32x128xf32, #tpu.memory_space<hbm>>) dst(%dma_wait3A_664 : memref<32x128xf32, #tpu.memory_space<vmem>>)
        %dma_wait3A_668 = arith.constant 0 : i32
        %dma_wait3A_669 = arith.constant 0 : i32
        %dma_wait3A_670 = tpu.memref_slice %arg6[%dma_wait3A_668, %dma_wait3A_669] : memref<32x2048xf32, #tpu.memory_space<vmem>> -> memref<32x128xf32, #tpu.memory_space<vmem>>
        %dma_wait3A_671 = arith.constant 0 : i32
        %dma_wait3A_672 = arith.constant 0 : i32
        %dma_wait3A_673 = tpu.memref_slice %arg2[%dma_wait3A_671, %dma_wait3A_672] : memref<32x1000000xf32, #tpu.memory_space<hbm>> -> memref<32x128xf32, #tpu.memory_space<hbm>>
        %dma_wait3A_674 = arith.constant 0 : i32
        %dma_wait3A_675 = arith.constant 0 : i32
        %dma_wait3A_676 = tpu.memref_slice %arg6[%dma_wait3A_674, %dma_wait3A_675] : memref<32x2048xf32, #tpu.memory_space<vmem>> -> memref<32x128xf32, #tpu.memory_space<vmem>>
        %dma_wait3A_677 = arith.constant 0 : i32
        %dma_wait3A_678 = arith.constant 0 : i32
        %dma_wait3A_679 = tpu.memref_slice %arg2[%dma_wait3A_677, %dma_wait3A_678] : memref<32x1000000xf32, #tpu.memory_space<hbm>> -> memref<32x128xf32, #tpu.memory_space<hbm>>
        tpu.wait_dma2 semaphore(%arg9 : memref<!tpu.dma_semaphore, #tpu.memory_space<semaphore_mem>>) src(%dma_wait3A_679 : memref<32x128xf32, #tpu.memory_space<hbm>>) dst(%dma_wait3A_676 : memref<32x128xf32, #tpu.memory_space<vmem>>)
        %dma_wait3A_680 = arith.constant 0 : i32
        %dma_wait3A_681 = arith.constant 0 : i32
        %dma_wait3A_682 = tpu.memref_slice %arg6[%dma_wait3A_680, %dma_wait3A_681] : memref<32x2048xf32, #tpu.memory_space<vmem>> -> memref<32x128xf32, #tpu.memory_space<vmem>>
        %dma_wait3A_683 = arith.constant 0 : i32
        %dma_wait3A_684 = arith.constant 0 : i32
        %dma_wait3A_685 = tpu.memref_slice %arg2[%dma_wait3A_683, %dma_wait3A_684] : memref<32x1000000xf32, #tpu.memory_space<hbm>> -> memref<32x128xf32, #tpu.memory_space<hbm>>
        %dma_wait3A_686 = arith.constant 0 : i32
        %dma_wait3A_687 = arith.constant 0 : i32
        %dma_wait3A_688 = tpu.memref_slice %arg6[%dma_wait3A_686, %dma_wait3A_687] : memref<32x2048xf32, #tpu.memory_space<vmem>> -> memref<32x128xf32, #tpu.memory_space<vmem>>
        %dma_wait3A_689 = arith.constant 0 : i32
        %dma_wait3A_690 = arith.constant 0 : i32
        %dma_wait3A_691 = tpu.memref_slice %arg2[%dma_wait3A_689, %dma_wait3A_690] : memref<32x1000000xf32, #tpu.memory_space<hbm>> -> memref<32x128xf32, #tpu.memory_space<hbm>>
        tpu.wait_dma2 semaphore(%arg9 : memref<!tpu.dma_semaphore, #tpu.memory_space<semaphore_mem>>) src(%dma_wait3A_691 : memref<32x128xf32, #tpu.memory_space<hbm>>) dst(%dma_wait3A_688 : memref<32x128xf32, #tpu.memory_space<vmem>>)
        %dma_wait3A_692 = arith.constant 0 : i32
        %dma_wait3A_693 = arith.constant 0 : i32
        %dma_wait3A_694 = tpu.memref_slice %arg6[%dma_wait3A_692, %dma_wait3A_693] : memref<32x2048xf32, #tpu.memory_space<vmem>> -> memref<32x128xf32, #tpu.memory_space<vmem>>
        %dma_wait3A_695 = arith.constant 0 : i32
        %dma_wait3A_696 = arith.constant 0 : i32
        %dma_wait3A_697 = tpu.memref_slice %arg2[%dma_wait3A_695, %dma_wait3A_696] : memref<32x1000000xf32, #tpu.memory_space<hbm>> -> memref<32x128xf32, #tpu.memory_space<hbm>>
        %dma_wait3A_698 = arith.constant 0 : i32
        %dma_wait3A_699 = arith.constant 0 : i32
        %dma_wait3A_700 = tpu.memref_slice %arg6[%dma_wait3A_698, %dma_wait3A_699] : memref<32x2048xf32, #tpu.memory_space<vmem>> -> memref<32x128xf32, #tpu.memory_space<vmem>>
        %dma_wait3A_701 = arith.constant 0 : i32
        %dma_wait3A_702 = arith.constant 0 : i32
        %dma_wait3A_703 = tpu.memref_slice %arg2[%dma_wait3A_701, %dma_wait3A_702] : memref<32x1000000xf32, #tpu.memory_space<hbm>> -> memref<32x128xf32, #tpu.memory_space<hbm>>
        tpu.wait_dma2 semaphore(%arg9 : memref<!tpu.dma_semaphore, #tpu.memory_space<semaphore_mem>>) src(%dma_wait3A_703 : memref<32x128xf32, #tpu.memory_space<hbm>>) dst(%dma_wait3A_700 : memref<32x128xf32, #tpu.memory_space<vmem>>)
        %dma_wait3A_704 = arith.constant 0 : i32
        %dma_wait3A_705 = arith.constant 0 : i32
        %dma_wait3A_706 = tpu.memref_slice %arg6[%dma_wait3A_704, %dma_wait3A_705] : memref<32x2048xf32, #tpu.memory_space<vmem>> -> memref<32x128xf32, #tpu.memory_space<vmem>>
        %dma_wait3A_707 = arith.constant 0 : i32
        %dma_wait3A_708 = arith.constant 0 : i32
        %dma_wait3A_709 = tpu.memref_slice %arg2[%dma_wait3A_707, %dma_wait3A_708] : memref<32x1000000xf32, #tpu.memory_space<hbm>> -> memref<32x128xf32, #tpu.memory_space<hbm>>
        %dma_wait3A_710 = arith.constant 0 : i32
        %dma_wait3A_711 = arith.constant 0 : i32
        %dma_wait3A_712 = tpu.memref_slice %arg6[%dma_wait3A_710, %dma_wait3A_711] : memref<32x2048xf32, #tpu.memory_space<vmem>> -> memref<32x128xf32, #tpu.memory_space<vmem>>
        %dma_wait3A_713 = arith.constant 0 : i32
        %dma_wait3A_714 = arith.constant 0 : i32
        %dma_wait3A_715 = tpu.memref_slice %arg2[%dma_wait3A_713, %dma_wait3A_714] : memref<32x1000000xf32, #tpu.memory_space<hbm>> -> memref<32x128xf32, #tpu.memory_space<hbm>>
        tpu.wait_dma2 semaphore(%arg9 : memref<!tpu.dma_semaphore, #tpu.memory_space<semaphore_mem>>) src(%dma_wait3A_715 : memref<32x128xf32, #tpu.memory_space<hbm>>) dst(%dma_wait3A_712 : memref<32x128xf32, #tpu.memory_space<vmem>>)
      } else {
      }
      %rem3A_298 = arith.constant 2 : i32
      %rem3A_299 = arith.remsi %scan3A_285, %rem3A_298 : i32
      %mul3A_300 = arith.constant 8 : i32
      %mul3A_301 = arith.muli %scan3A_285, %mul3A_300 : i32
      %get3A_302 = arith.index_cast %mul3A_301 : i32 to index
      %get3A_303 = tpu.vector_load %arg5[%get3A_302] {strides = array<i32>} : memref<528xi32, #tpu.memory_space<vmem>>, vector<16xi32>,
      %shift_right_arithmetic3A_304 = arith.constant 7 : i32
      %shift_right_arithmetic3A_305 = vector.broadcast %shift_right_arithmetic3A_304 : i32 to vector<16xi32>
      %shift_right_arithmetic3A_306 = arith.shrsi %get3A_303, %shift_right_arithmetic3A_305 : vector<16xi32>
      %shift_left3A_307 = arith.constant 7 : i32
      %shift_left3A_308 = vector.broadcast %shift_left3A_307 : i32 to vector<16xi32>
      %shift_left3A_309 = arith.shli %shift_right_arithmetic3A_306, %shift_left3A_308 : vector<16xi32>
      %sub3A_310 = arith.subi %get3A_303, %shift_left3A_309 : vector<16xi32>
      %mul3A_311 = arith.constant 1024 : i32
      %mul3A_312 = arith.muli %rem3A_299, %mul3A_311 : i32
      %add3A_313 = arith.constant 0 : i32
      %add3A_314 = arith.addi %mul3A_312, %add3A_313 : i32
      %slice3A_315 = vector.extract_strided_slice %sub3A_310 {offsets = [0], sizes = [1], strides = [1]} : vector<16xi32> to vector<1xi32>
      %squeeze3A_316 = vector.extract %slice3A_315[0] : i32 from vector<1xi32>
      %add3A_317 = arith.addi %add3A_314, %squeeze3A_316 : i32
      %broadcast_in_dim3A_318 = vector.broadcast %add3A_317 : i32 to vector<16xi32>
      %gather3A_319 = tpu.vector_load_idx %arg6[%iota3A, %broadcast_in_dim3A_318] : memref<32x2048xf32, #tpu.memory_space<vmem>>[vector<16xi32>, vector<16xi32>], vector<16xf32>,
      %gather3A_320 = tpu.vector_load_idx %arg6[%add3A_5, %broadcast_in_dim3A_318] : memref<32x2048xf32, #tpu.memory_space<vmem>>[vector<16xi32>, vector<16xi32>], vector<16xf32>,
      %mul3A_321 = arith.constant 8 : i32
      %mul3A_322 = arith.muli %scan3A_285, %mul3A_321 : i32
      %add3A_323 = arith.constant 0 : i32
      %add3A_324 = arith.addi %mul3A_322, %add3A_323 : i32
      %mul3A_325 = arith.constant 32 : i32
      %mul3A_326 = arith.muli %add3A_324, %mul3A_325 : i32
      %add3A_327 = vector.broadcast %mul3A_326 : i32 to vector<16xi32>
      %add3A_328 = arith.addi %add3A_327, %iota3A : vector<16xi32>
      tpu.vector_store_idx %arg7[%add3A_328], %gather3A_319 : memref<16384xf32, #tpu.memory_space<vmem>>[vector<16xi32>], vector<16xf32>,
      %add3A_329 = arith.constant 16 : i32
      %add3A_330 = arith.addi %mul3A_326, %add3A_329 : i32
      %add3A_331 = vector.broadcast %add3A_330 : i32 to vector<16xi32>
      %add3A_332 = arith.addi %add3A_331, %iota3A : vector<16xi32>
      tpu.vector_store_idx %arg7[%add3A_332], %gather3A_320 : memref<16384xf32, #tpu.memory_space<vmem>>[vector<16xi32>], vector<16xf32>,
      %mul3A_333 = arith.constant 1024 : i32
      %mul3A_334 = arith.muli %rem3A_299, %mul3A_333 : i32
      %add3A_335 = arith.constant 128 : i32
      %add3A_336 = arith.addi %mul3A_334, %add3A_335 : i32
      %slice3A_337 = vector.extract_strided_slice %sub3A_310 {offsets = [1], sizes = [1], strides = [1]} : vector<16xi32> to vector<1xi32>
      %squeeze3A_338 = vector.extract %slice3A_337[0] : i32 from vector<1xi32>
      %add3A_339 = arith.addi %add3A_336, %squeeze3A_338 : i32
      %broadcast_in_dim3A_340 = vector.broadcast %add3A_339 : i32 to vector<16xi32>
      %gather3A_341 = tpu.vector_load_idx %arg6[%iota3A, %broadcast_in_dim3A_340] : memref<32x2048xf32, #tpu.memory_space<vmem>>[vector<16xi32>, vector<16xi32>], vector<16xf32>,
      %gather3A_342 = tpu.vector_load_idx %arg6[%add3A_5, %broadcast_in_dim3A_340] : memref<32x2048xf32, #tpu.memory_space<vmem>>[vector<16xi32>, vector<16xi32>], vector<16xf32>,
      %mul3A_343 = arith.constant 8 : i32
      %mul3A_344 = arith.muli %scan3A_285, %mul3A_343 : i32
      %add3A_345 = arith.constant 1 : i32
      %add3A_346 = arith.addi %mul3A_344, %add3A_345 : i32
      %mul3A_347 = arith.constant 32 : i32
      %mul3A_348 = arith.muli %add3A_346, %mul3A_347 : i32
      %add3A_349 = vector.broadcast %mul3A_348 : i32 to vector<16xi32>
      %add3A_350 = arith.addi %add3A_349, %iota3A : vector<16xi32>
      tpu.vector_store_idx %arg7[%add3A_350], %gather3A_341 : memref<16384xf32, #tpu.memory_space<vmem>>[vector<16xi32>], vector<16xf32>,
      %add3A_351 = arith.constant 16 : i32
      %add3A_352 = arith.addi %mul3A_348, %add3A_351 : i32
      %add3A_353 = vector.broadcast %add3A_352 : i32 to vector<16xi32>
      %add3A_354 = arith.addi %add3A_353, %iota3A : vector<16xi32>
      tpu.vector_store_idx %arg7[%add3A_354], %gather3A_342 : memref<16384xf32, #tpu.memory_space<vmem>>[vector<16xi32>], vector<16xf32>,
      %mul3A_355 = arith.constant 1024 : i32
      %mul3A_356 = arith.muli %rem3A_299, %mul3A_355 : i32
      %add3A_357 = arith.constant 256 : i32
      %add3A_358 = arith.addi %mul3A_356, %add3A_357 : i32
      %slice3A_359 = vector.extract_strided_slice %sub3A_310 {offsets = [2], sizes = [1], strides = [1]} : vector<16xi32> to vector<1xi32>
      %squeeze3A_360 = vector.extract %slice3A_359[0] : i32 from vector<1xi32>
      %add3A_361 = arith.addi %add3A_358, %squeeze3A_360 : i32
      %broadcast_in_dim3A_362 = vector.broadcast %add3A_361 : i32 to vector<16xi32>
      %gather3A_363 = tpu.vector_load_idx %arg6[%iota3A, %broadcast_in_dim3A_362] : memref<32x2048xf32, #tpu.memory_space<vmem>>[vector<16xi32>, vector<16xi32>], vector<16xf32>,
      %gather3A_364 = tpu.vector_load_idx %arg6[%add3A_5, %broadcast_in_dim3A_362] : memref<32x2048xf32, #tpu.memory_space<vmem>>[vector<16xi32>, vector<16xi32>], vector<16xf32>,
      %mul3A_365 = arith.constant 8 : i32
      %mul3A_366 = arith.muli %scan3A_285, %mul3A_365 : i32
      %add3A_367 = arith.constant 2 : i32
      %add3A_368 = arith.addi %mul3A_366, %add3A_367 : i32
      %mul3A_369 = arith.constant 32 : i32
      %mul3A_370 = arith.muli %add3A_368, %mul3A_369 : i32
      %add3A_371 = vector.broadcast %mul3A_370 : i32 to vector<16xi32>
      %add3A_372 = arith.addi %add3A_371, %iota3A : vector<16xi32>
      tpu.vector_store_idx %arg7[%add3A_372], %gather3A_363 : memref<16384xf32, #tpu.memory_space<vmem>>[vector<16xi32>], vector<16xf32>,
      %add3A_373 = arith.constant 16 : i32
      %add3A_374 = arith.addi %mul3A_370, %add3A_373 : i32
      %add3A_375 = vector.broadcast %add3A_374 : i32 to vector<16xi32>
      %add3A_376 = arith.addi %add3A_375, %iota3A : vector<16xi32>
      tpu.vector_store_idx %arg7[%add3A_376], %gather3A_364 : memref<16384xf32, #tpu.memory_space<vmem>>[vector<16xi32>], vector<16xf32>,
      %mul3A_377 = arith.constant 1024 : i32
      %mul3A_378 = arith.muli %rem3A_299, %mul3A_377 : i32
      %add3A_379 = arith.constant 384 : i32
      %add3A_380 = arith.addi %mul3A_378, %add3A_379 : i32
      %slice3A_381 = vector.extract_strided_slice %sub3A_310 {offsets = [3], sizes = [1], strides = [1]} : vector<16xi32> to vector<1xi32>
      %squeeze3A_382 = vector.extract %slice3A_381[0] : i32 from vector<1xi32>
      %add3A_383 = arith.addi %add3A_380, %squeeze3A_382 : i32
      %broadcast_in_dim3A_384 = vector.broadcast %add3A_383 : i32 to vector<16xi32>
      %gather3A_385 = tpu.vector_load_idx %arg6[%iota3A, %broadcast_in_dim3A_384] : memref<32x2048xf32, #tpu.memory_space<vmem>>[vector<16xi32>, vector<16xi32>], vector<16xf32>,
      %gather3A_386 = tpu.vector_load_idx %arg6[%add3A_5, %broadcast_in_dim3A_384] : memref<32x2048xf32, #tpu.memory_space<vmem>>[vector<16xi32>, vector<16xi32>], vector<16xf32>,
      %mul3A_387 = arith.constant 8 : i32
      %mul3A_388 = arith.muli %scan3A_285, %mul3A_387 : i32
      %add3A_389 = arith.constant 3 : i32
      %add3A_390 = arith.addi %mul3A_388, %add3A_389 : i32
      %mul3A_391 = arith.constant 32 : i32
      %mul3A_392 = arith.muli %add3A_390, %mul3A_391 : i32
      %add3A_393 = vector.broadcast %mul3A_392 : i32 to vector<16xi32>
      %add3A_394 = arith.addi %add3A_393, %iota3A : vector<16xi32>
      tpu.vector_store_idx %arg7[%add3A_394], %gather3A_385 : memref<16384xf32, #tpu.memory_space<vmem>>[vector<16xi32>], vector<16xf32>,
      %add3A_395 = arith.constant 16 : i32
      %add3A_396 = arith.addi %mul3A_392, %add3A_395 : i32
      %add3A_397 = vector.broadcast %add3A_396 : i32 to vector<16xi32>
      %add3A_398 = arith.addi %add3A_397, %iota3A : vector<16xi32>
      tpu.vector_store_idx %arg7[%add3A_398], %gather3A_386 : memref<16384xf32, #tpu.memory_space<vmem>>[vector<16xi32>], vector<16xf32>,
      %mul3A_399 = arith.constant 1024 : i32
      %mul3A_400 = arith.muli %rem3A_299, %mul3A_399 : i32
      %add3A_401 = arith.constant 512 : i32
      %add3A_402 = arith.addi %mul3A_400, %add3A_401 : i32
      %slice3A_403 = vector.extract_strided_slice %sub3A_310 {offsets = [4], sizes = [1], strides = [1]} : vector<16xi32> to vector<1xi32>
      %squeeze3A_404 = vector.extract %slice3A_403[0] : i32 from vector<1xi32>
      %add3A_405 = arith.addi %add3A_402, %squeeze3A_404 : i32
      %broadcast_in_dim3A_406 = vector.broadcast %add3A_405 : i32 to vector<16xi32>
      %gather3A_407 = tpu.vector_load_idx %arg6[%iota3A, %broadcast_in_dim3A_406] : memref<32x2048xf32, #tpu.memory_space<vmem>>[vector<16xi32>, vector<16xi32>], vector<16xf32>,
      %gather3A_408 = tpu.vector_load_idx %arg6[%add3A_5, %broadcast_in_dim3A_406] : memref<32x2048xf32, #tpu.memory_space<vmem>>[vector<16xi32>, vector<16xi32>], vector<16xf32>,
      %mul3A_409 = arith.constant 8 : i32
      %mul3A_410 = arith.muli %scan3A_285, %mul3A_409 : i32
      %add3A_411 = arith.constant 4 : i32
      %add3A_412 = arith.addi %mul3A_410, %add3A_411 : i32
      %mul3A_413 = arith.constant 32 : i32
      %mul3A_414 = arith.muli %add3A_412, %mul3A_413 : i32
      %add3A_415 = vector.broadcast %mul3A_414 : i32 to vector<16xi32>
      %add3A_416 = arith.addi %add3A_415, %iota3A : vector<16xi32>
      tpu.vector_store_idx %arg7[%add3A_416], %gather3A_407 : memref<16384xf32, #tpu.memory_space<vmem>>[vector<16xi32>], vector<16xf32>,
      %add3A_417 = arith.constant 16 : i32
      %add3A_418 = arith.addi %mul3A_414, %add3A_417 : i32
      %add3A_419 = vector.broadcast %add3A_418 : i32 to vector<16xi32>
      %add3A_420 = arith.addi %add3A_419, %iota3A : vector<16xi32>
      tpu.vector_store_idx %arg7[%add3A_420], %gather3A_408 : memref<16384xf32, #tpu.memory_space<vmem>>[vector<16xi32>], vector<16xf32>,
      %mul3A_421 = arith.constant 1024 : i32
      %mul3A_422 = arith.muli %rem3A_299, %mul3A_421 : i32
      %add3A_423 = arith.constant 640 : i32
      %add3A_424 = arith.addi %mul3A_422, %add3A_423 : i32
      %slice3A_425 = vector.extract_strided_slice %sub3A_310 {offsets = [5], sizes = [1], strides = [1]} : vector<16xi32> to vector<1xi32>
      %squeeze3A_426 = vector.extract %slice3A_425[0] : i32 from vector<1xi32>
      %add3A_427 = arith.addi %add3A_424, %squeeze3A_426 : i32
      %broadcast_in_dim3A_428 = vector.broadcast %add3A_427 : i32 to vector<16xi32>
      %gather3A_429 = tpu.vector_load_idx %arg6[%iota3A, %broadcast_in_dim3A_428] : memref<32x2048xf32, #tpu.memory_space<vmem>>[vector<16xi32>, vector<16xi32>], vector<16xf32>,
      %gather3A_430 = tpu.vector_load_idx %arg6[%add3A_5, %broadcast_in_dim3A_428] : memref<32x2048xf32, #tpu.memory_space<vmem>>[vector<16xi32>, vector<16xi32>], vector<16xf32>,
      %mul3A_431 = arith.constant 8 : i32
      %mul3A_432 = arith.muli %scan3A_285, %mul3A_431 : i32
      %add3A_433 = arith.constant 5 : i32
      %add3A_434 = arith.addi %mul3A_432, %add3A_433 : i32
      %mul3A_435 = arith.constant 32 : i32
      %mul3A_436 = arith.muli %add3A_434, %mul3A_435 : i32
      %add3A_437 = vector.broadcast %mul3A_436 : i32 to vector<16xi32>
      %add3A_438 = arith.addi %add3A_437, %iota3A : vector<16xi32>
      tpu.vector_store_idx %arg7[%add3A_438], %gather3A_429 : memref<16384xf32, #tpu.memory_space<vmem>>[vector<16xi32>], vector<16xf32>,
      %add3A_439 = arith.constant 16 : i32
      %add3A_440 = arith.addi %mul3A_436, %add3A_439 : i32
      %add3A_441 = vector.broadcast %add3A_440 : i32 to vector<16xi32>
      %add3A_442 = arith.addi %add3A_441, %iota3A : vector<16xi32>
      tpu.vector_store_idx %arg7[%add3A_442], %gather3A_430 : memref<16384xf32, #tpu.memory_space<vmem>>[vector<16xi32>], vector<16xf32>,
      %mul3A_443 = arith.constant 1024 : i32
      %mul3A_444 = arith.muli %rem3A_299, %mul3A_443 : i32
      %add3A_445 = arith.constant 768 : i32
      %add3A_446 = arith.addi %mul3A_444, %add3A_445 : i32
      %slice3A_447 = vector.extract_strided_slice %sub3A_310 {offsets = [6], sizes = [1], strides = [1]} : vector<16xi32> to vector<1xi32>
      %squeeze3A_448 = vector.extract %slice3A_447[0] : i32 from vector<1xi32>
      %add3A_449 = arith.addi %add3A_446, %squeeze3A_448 : i32
      %broadcast_in_dim3A_450 = vector.broadcast %add3A_449 : i32 to vector<16xi32>
      %gather3A_451 = tpu.vector_load_idx %arg6[%iota3A, %broadcast_in_dim3A_450] : memref<32x2048xf32, #tpu.memory_space<vmem>>[vector<16xi32>, vector<16xi32>], vector<16xf32>,
      %gather3A_452 = tpu.vector_load_idx %arg6[%add3A_5, %broadcast_in_dim3A_450] : memref<32x2048xf32, #tpu.memory_space<vmem>>[vector<16xi32>, vector<16xi32>], vector<16xf32>,
      %mul3A_453 = arith.constant 8 : i32
      %mul3A_454 = arith.muli %scan3A_285, %mul3A_453 : i32
      %add3A_455 = arith.constant 6 : i32
      %add3A_456 = arith.addi %mul3A_454, %add3A_455 : i32
      %mul3A_457 = arith.constant 32 : i32
      %mul3A_458 = arith.muli %add3A_456, %mul3A_457 : i32
      %add3A_459 = vector.broadcast %mul3A_458 : i32 to vector<16xi32>
      %add3A_460 = arith.addi %add3A_459, %iota3A : vector<16xi32>
      tpu.vector_store_idx %arg7[%add3A_460], %gather3A_451 : memref<16384xf32, #tpu.memory_space<vmem>>[vector<16xi32>], vector<16xf32>,
      %add3A_461 = arith.constant 16 : i32
      %add3A_462 = arith.addi %mul3A_458, %add3A_461 : i32
      %add3A_463 = vector.broadcast %add3A_462 : i32 to vector<16xi32>
      %add3A_464 = arith.addi %add3A_463, %iota3A : vector<16xi32>
      tpu.vector_store_idx %arg7[%add3A_464], %gather3A_452 : memref<16384xf32, #tpu.memory_space<vmem>>[vector<16xi32>], vector<16xf32>,
      %mul3A_465 = arith.constant 1024 : i32
      %mul3A_466 = arith.muli %rem3A_299, %mul3A_465 : i32
      %add3A_467 = arith.constant 896 : i32
      %add3A_468 = arith.addi %mul3A_466, %add3A_467 : i32
      %slice3A_469 = vector.extract_strided_slice %sub3A_310 {offsets = [7], sizes = [1], strides = [1]} : vector<16xi32> to vector<1xi32>
      %squeeze3A_470 = vector.extract %slice3A_469[0] : i32 from vector<1xi32>
      %add3A_471 = arith.addi %add3A_468, %squeeze3A_470 : i32
      %broadcast_in_dim3A_472 = vector.broadcast %add3A_471 : i32 to vector<16xi32>
      %gather3A_473 = tpu.vector_load_idx %arg6[%iota3A, %broadcast_in_dim3A_472] : memref<32x2048xf32, #tpu.memory_space<vmem>>[vector<16xi32>, vector<16xi32>], vector<16xf32>,
      %gather3A_474 = tpu.vector_load_idx %arg6[%add3A_5, %broadcast_in_dim3A_472] : memref<32x2048xf32, #tpu.memory_space<vmem>>[vector<16xi32>, vector<16xi32>], vector<16xf32>,
      %mul3A_475 = arith.constant 8 : i32
      %mul3A_476 = arith.muli %scan3A_285, %mul3A_475 : i32
      %add3A_477 = arith.constant 7 : i32
      %add3A_478 = arith.addi %mul3A_476, %add3A_477 : i32
      %mul3A_479 = arith.constant 32 : i32
      %mul3A_480 = arith.muli %add3A_478, %mul3A_479 : i32
      %add3A_481 = vector.broadcast %mul3A_480 : i32 to vector<16xi32>
      %add3A_482 = arith.addi %add3A_481, %iota3A : vector<16xi32>
      tpu.vector_store_idx %arg7[%add3A_482], %gather3A_473 : memref<16384xf32, #tpu.memory_space<vmem>>[vector<16xi32>], vector<16xf32>,
      %add3A_483 = arith.constant 16 : i32
      %add3A_484 = arith.addi %mul3A_480, %add3A_483 : i32
      %add3A_485 = vector.broadcast %add3A_484 : i32 to vector<16xi32>
      %add3A_486 = arith.addi %add3A_485, %iota3A : vector<16xi32>
      tpu.vector_store_idx %arg7[%add3A_486], %gather3A_474 : memref<16384xf32, #tpu.memory_space<vmem>>[vector<16xi32>], vector<16xf32>,
    }
    %scan3A_132 = arith.constant 63 : i32
    %rem3A_133 = arith.constant 63 : i32
    %rem3A_134 = arith.constant 2 : i32
    %rem3A_135 = arith.remsi %rem3A_133, %rem3A_134 : i32
    %eq3A = arith.constant 0 : i32
    %eq3A_136 = arith.cmpi eq, %rem3A_135, %eq3A : i32
    %convert_element_type3A = arith.extui %eq3A_136 : i1 to i32
    %cond3A = arith.constant 0 : i32
    %cond3A_137 = arith.cmpi ne, %convert_element_type3A, %cond3A : i32
    scf.if %cond3A_137 {
      %dma_wait3A = arith.constant 0 : i32
      %dma_wait3A_285 = arith.constant 0 : i32
      %dma_wait3A_286 = tpu.memref_slice %arg6[%dma_wait3A, %dma_wait3A_285] : memref<32x2048xf32, #tpu.memory_space<vmem>> -> memref<32x128xf32, #tpu.memory_space<vmem>>
      %dma_wait3A_287 = arith.constant 0 : i32
      %dma_wait3A_288 = arith.constant 0 : i32
      %dma_wait3A_289 = tpu.memref_slice %arg2[%dma_wait3A_287, %dma_wait3A_288] : memref<32x1000000xf32, #tpu.memory_space<hbm>> -> memref<32x128xf32, #tpu.memory_space<hbm>>
      %dma_wait3A_290 = arith.constant 0 : i32
      %dma_wait3A_291 = arith.constant 0 : i32
      %dma_wait3A_292 = tpu.memref_slice %arg6[%dma_wait3A_290, %dma_wait3A_291] : memref<32x2048xf32, #tpu.memory_space<vmem>> -> memref<32x128xf32, #tpu.memory_space<vmem>>
      %dma_wait3A_293 = arith.constant 0 : i32
      %dma_wait3A_294 = arith.constant 0 : i32
      %dma_wait3A_295 = tpu.memref_slice %arg2[%dma_wait3A_293, %dma_wait3A_294] : memref<32x1000000xf32, #tpu.memory_space<hbm>> -> memref<32x128xf32, #tpu.memory_space<hbm>>
      tpu.wait_dma2 semaphore(%arg8 : memref<!tpu.dma_semaphore, #tpu.memory_space<semaphore_mem>>) src(%dma_wait3A_295 : memref<32x128xf32, #tpu.memory_space<hbm>>) dst(%dma_wait3A_292 : memref<32x128xf32, #tpu.memory_space<vmem>>)
      %dma_wait3A_296 = arith.constant 0 : i32
      %dma_wait3A_297 = arith.constant 0 : i32
      %dma_wait3A_298 = tpu.memref_slice %arg6[%dma_wait3A_296, %dma_wait3A_297] : memref<32x2048xf32, #tpu.memory_space<vmem>> -> memref<32x128xf32, #tpu.memory_space<vmem>>
      %dma_wait3A_299 = arith.constant 0 : i32
      %dma_wait3A_300 = arith.constant 0 : i32
      %dma_wait3A_301 = tpu.memref_slice %arg2[%dma_wait3A_299, %dma_wait3A_300] : memref<32x1000000xf32, #tpu.memory_space<hbm>> -> memref<32x128xf32, #tpu.memory_space<hbm>>
      %dma_wait3A_302 = arith.constant 0 : i32
      %dma_wait3A_303 = arith.constant 0 : i32
      %dma_wait3A_304 = tpu.memref_slice %arg6[%dma_wait3A_302, %dma_wait3A_303] : memref<32x2048xf32, #tpu.memory_space<vmem>> -> memref<32x128xf32, #tpu.memory_space<vmem>>
      %dma_wait3A_305 = arith.constant 0 : i32
      %dma_wait3A_306 = arith.constant 0 : i32
      %dma_wait3A_307 = tpu.memref_slice %arg2[%dma_wait3A_305, %dma_wait3A_306] : memref<32x1000000xf32, #tpu.memory_space<hbm>> -> memref<32x128xf32, #tpu.memory_space<hbm>>
      tpu.wait_dma2 semaphore(%arg8 : memref<!tpu.dma_semaphore, #tpu.memory_space<semaphore_mem>>) src(%dma_wait3A_307 : memref<32x128xf32, #tpu.memory_space<hbm>>) dst(%dma_wait3A_304 : memref<32x128xf32, #tpu.memory_space<vmem>>)
      %dma_wait3A_308 = arith.constant 0 : i32
      %dma_wait3A_309 = arith.constant 0 : i32
      %dma_wait3A_310 = tpu.memref_slice %arg6[%dma_wait3A_308, %dma_wait3A_309] : memref<32x2048xf32, #tpu.memory_space<vmem>> -> memref<32x128xf32, #tpu.memory_space<vmem>>
      %dma_wait3A_311 = arith.constant 0 : i32
      %dma_wait3A_312 = arith.constant 0 : i32
      %dma_wait3A_313 = tpu.memref_slice %arg2[%dma_wait3A_311, %dma_wait3A_312] : memref<32x1000000xf32, #tpu.memory_space<hbm>> -> memref<32x128xf32, #tpu.memory_space<hbm>>
      %dma_wait3A_314 = arith.constant 0 : i32
      %dma_wait3A_315 = arith.constant 0 : i32
      %dma_wait3A_316 = tpu.memref_slice %arg6[%dma_wait3A_314, %dma_wait3A_315] : memref<32x2048xf32, #tpu.memory_space<vmem>> -> memref<32x128xf32, #tpu.memory_space<vmem>>
      %dma_wait3A_317 = arith.constant 0 : i32
      %dma_wait3A_318 = arith.constant 0 : i32
      %dma_wait3A_319 = tpu.memref_slice %arg2[%dma_wait3A_317, %dma_wait3A_318] : memref<32x1000000xf32, #tpu.memory_space<hbm>> -> memref<32x128xf32, #tpu.memory_space<hbm>>
      tpu.wait_dma2 semaphore(%arg8 : memref<!tpu.dma_semaphore, #tpu.memory_space<semaphore_mem>>) src(%dma_wait3A_319 : memref<32x128xf32, #tpu.memory_space<hbm>>) dst(%dma_wait3A_316 : memref<32x128xf32, #tpu.memory_space<vmem>>)
      %dma_wait3A_320 = arith.constant 0 : i32
      %dma_wait3A_321 = arith.constant 0 : i32
      %dma_wait3A_322 = tpu.memref_slice %arg6[%dma_wait3A_320, %dma_wait3A_321] : memref<32x2048xf32, #tpu.memory_space<vmem>> -> memref<32x128xf32, #tpu.memory_space<vmem>>
      %dma_wait3A_323 = arith.constant 0 : i32
      %dma_wait3A_324 = arith.constant 0 : i32
      %dma_wait3A_325 = tpu.memref_slice %arg2[%dma_wait3A_323, %dma_wait3A_324] : memref<32x1000000xf32, #tpu.memory_space<hbm>> -> memref<32x128xf32, #tpu.memory_space<hbm>>
      %dma_wait3A_326 = arith.constant 0 : i32
      %dma_wait3A_327 = arith.constant 0 : i32
      %dma_wait3A_328 = tpu.memref_slice %arg6[%dma_wait3A_326, %dma_wait3A_327] : memref<32x2048xf32, #tpu.memory_space<vmem>> -> memref<32x128xf32, #tpu.memory_space<vmem>>
      %dma_wait3A_329 = arith.constant 0 : i32
      %dma_wait3A_330 = arith.constant 0 : i32
      %dma_wait3A_331 = tpu.memref_slice %arg2[%dma_wait3A_329, %dma_wait3A_330] : memref<32x1000000xf32, #tpu.memory_space<hbm>> -> memref<32x128xf32, #tpu.memory_space<hbm>>
      tpu.wait_dma2 semaphore(%arg8 : memref<!tpu.dma_semaphore, #tpu.memory_space<semaphore_mem>>) src(%dma_wait3A_331 : memref<32x128xf32, #tpu.memory_space<hbm>>) dst(%dma_wait3A_328 : memref<32x128xf32, #tpu.memory_space<vmem>>)
      %dma_wait3A_332 = arith.constant 0 : i32
      %dma_wait3A_333 = arith.constant 0 : i32
      %dma_wait3A_334 = tpu.memref_slice %arg6[%dma_wait3A_332, %dma_wait3A_333] : memref<32x2048xf32, #tpu.memory_space<vmem>> -> memref<32x128xf32, #tpu.memory_space<vmem>>
      %dma_wait3A_335 = arith.constant 0 : i32
      %dma_wait3A_336 = arith.constant 0 : i32
      %dma_wait3A_337 = tpu.memref_slice %arg2[%dma_wait3A_335, %dma_wait3A_336] : memref<32x1000000xf32, #tpu.memory_space<hbm>> -> memref<32x128xf32, #tpu.memory_space<hbm>>
      %dma_wait3A_338 = arith.constant 0 : i32
      %dma_wait3A_339 = arith.constant 0 : i32
      %dma_wait3A_340 = tpu.memref_slice %arg6[%dma_wait3A_338, %dma_wait3A_339] : memref<32x2048xf32, #tpu.memory_space<vmem>> -> memref<32x128xf32, #tpu.memory_space<vmem>>
      %dma_wait3A_341 = arith.constant 0 : i32
      %dma_wait3A_342 = arith.constant 0 : i32
      %dma_wait3A_343 = tpu.memref_slice %arg2[%dma_wait3A_341, %dma_wait3A_342] : memref<32x1000000xf32, #tpu.memory_space<hbm>> -> memref<32x128xf32, #tpu.memory_space<hbm>>
      tpu.wait_dma2 semaphore(%arg8 : memref<!tpu.dma_semaphore, #tpu.memory_space<semaphore_mem>>) src(%dma_wait3A_343 : memref<32x128xf32, #tpu.memory_space<hbm>>) dst(%dma_wait3A_340 : memref<32x128xf32, #tpu.memory_space<vmem>>)
      %dma_wait3A_344 = arith.constant 0 : i32
      %dma_wait3A_345 = arith.constant 0 : i32
      %dma_wait3A_346 = tpu.memref_slice %arg6[%dma_wait3A_344, %dma_wait3A_345] : memref<32x2048xf32, #tpu.memory_space<vmem>> -> memref<32x128xf32, #tpu.memory_space<vmem>>
      %dma_wait3A_347 = arith.constant 0 : i32
      %dma_wait3A_348 = arith.constant 0 : i32
      %dma_wait3A_349 = tpu.memref_slice %arg2[%dma_wait3A_347, %dma_wait3A_348] : memref<32x1000000xf32, #tpu.memory_space<hbm>> -> memref<32x128xf32, #tpu.memory_space<hbm>>
      %dma_wait3A_350 = arith.constant 0 : i32
      %dma_wait3A_351 = arith.constant 0 : i32
      %dma_wait3A_352 = tpu.memref_slice %arg6[%dma_wait3A_350, %dma_wait3A_351] : memref<32x2048xf32, #tpu.memory_space<vmem>> -> memref<32x128xf32, #tpu.memory_space<vmem>>
      %dma_wait3A_353 = arith.constant 0 : i32
      %dma_wait3A_354 = arith.constant 0 : i32
      %dma_wait3A_355 = tpu.memref_slice %arg2[%dma_wait3A_353, %dma_wait3A_354] : memref<32x1000000xf32, #tpu.memory_space<hbm>> -> memref<32x128xf32, #tpu.memory_space<hbm>>
      tpu.wait_dma2 semaphore(%arg8 : memref<!tpu.dma_semaphore, #tpu.memory_space<semaphore_mem>>) src(%dma_wait3A_355 : memref<32x128xf32, #tpu.memory_space<hbm>>) dst(%dma_wait3A_352 : memref<32x128xf32, #tpu.memory_space<vmem>>)
      %dma_wait3A_356 = arith.constant 0 : i32
      %dma_wait3A_357 = arith.constant 0 : i32
      %dma_wait3A_358 = tpu.memref_slice %arg6[%dma_wait3A_356, %dma_wait3A_357] : memref<32x2048xf32, #tpu.memory_space<vmem>> -> memref<32x128xf32, #tpu.memory_space<vmem>>
      %dma_wait3A_359 = arith.constant 0 : i32
      %dma_wait3A_360 = arith.constant 0 : i32
      %dma_wait3A_361 = tpu.memref_slice %arg2[%dma_wait3A_359, %dma_wait3A_360] : memref<32x1000000xf32, #tpu.memory_space<hbm>> -> memref<32x128xf32, #tpu.memory_space<hbm>>
      %dma_wait3A_362 = arith.constant 0 : i32
      %dma_wait3A_363 = arith.constant 0 : i32
      %dma_wait3A_364 = tpu.memref_slice %arg6[%dma_wait3A_362, %dma_wait3A_363] : memref<32x2048xf32, #tpu.memory_space<vmem>> -> memref<32x128xf32, #tpu.memory_space<vmem>>
      %dma_wait3A_365 = arith.constant 0 : i32
      %dma_wait3A_366 = arith.constant 0 : i32
      %dma_wait3A_367 = tpu.memref_slice %arg2[%dma_wait3A_365, %dma_wait3A_366] : memref<32x1000000xf32, #tpu.memory_space<hbm>> -> memref<32x128xf32, #tpu.memory_space<hbm>>
      tpu.wait_dma2 semaphore(%arg8 : memref<!tpu.dma_semaphore, #tpu.memory_space<semaphore_mem>>) src(%dma_wait3A_367 : memref<32x128xf32, #tpu.memory_space<hbm>>) dst(%dma_wait3A_364 : memref<32x128xf32, #tpu.memory_space<vmem>>)
      %dma_wait3A_368 = arith.constant 0 : i32
      %dma_wait3A_369 = arith.constant 0 : i32
      %dma_wait3A_370 = tpu.memref_slice %arg6[%dma_wait3A_368, %dma_wait3A_369] : memref<32x2048xf32, #tpu.memory_space<vmem>> -> memref<32x128xf32, #tpu.memory_space<vmem>>
      %dma_wait3A_371 = arith.constant 0 : i32
      %dma_wait3A_372 = arith.constant 0 : i32
      %dma_wait3A_373 = tpu.memref_slice %arg2[%dma_wait3A_371, %dma_wait3A_372] : memref<32x1000000xf32, #tpu.memory_space<hbm>> -> memref<32x128xf32, #tpu.memory_space<hbm>>
      %dma_wait3A_374 = arith.constant 0 : i32
      %dma_wait3A_375 = arith.constant 0 : i32
      %dma_wait3A_376 = tpu.memref_slice %arg6[%dma_wait3A_374, %dma_wait3A_375] : memref<32x2048xf32, #tpu.memory_space<vmem>> -> memref<32x128xf32, #tpu.memory_space<vmem>>
      %dma_wait3A_377 = arith.constant 0 : i32
      %dma_wait3A_378 = arith.constant 0 : i32
      %dma_wait3A_379 = tpu.memref_slice %arg2[%dma_wait3A_377, %dma_wait3A_378] : memref<32x1000000xf32, #tpu.memory_space<hbm>> -> memref<32x128xf32, #tpu.memory_space<hbm>>
      tpu.wait_dma2 semaphore(%arg8 : memref<!tpu.dma_semaphore, #tpu.memory_space<semaphore_mem>>) src(%dma_wait3A_379 : memref<32x128xf32, #tpu.memory_space<hbm>>) dst(%dma_wait3A_376 : memref<32x128xf32, #tpu.memory_space<vmem>>)
    } else {
    }
    %rem3A_138 = arith.constant 63 : i32
    %rem3A_139 = arith.constant 2 : i32
    %rem3A_140 = arith.remsi %rem3A_138, %rem3A_139 : i32
    %eq3A_141 = arith.constant 1 : i32
    %eq3A_142 = arith.cmpi eq, %rem3A_140, %eq3A_141 : i32
    %convert_element_type3A_143 = arith.extui %eq3A_142 : i1 to i32
    %cond3A_144 = arith.constant 0 : i32
    %cond3A_145 = arith.cmpi ne, %convert_element_type3A_143, %cond3A_144 : i32
    scf.if %cond3A_145 {
      %dma_wait3A = arith.constant 0 : i32
      %dma_wait3A_285 = arith.constant 0 : i32
      %dma_wait3A_286 = tpu.memref_slice %arg6[%dma_wait3A, %dma_wait3A_285] : memref<32x2048xf32, #tpu.memory_space<vmem>> -> memref<32x128xf32, #tpu.memory_space<vmem>>
      %dma_wait3A_287 = arith.constant 0 : i32
      %dma_wait3A_288 = arith.constant 0 : i32
      %dma_wait3A_289 = tpu.memref_slice %arg2[%dma_wait3A_287, %dma_wait3A_288] : memref<32x1000000xf32, #tpu.memory_space<hbm>> -> memref<32x128xf32, #tpu.memory_space<hbm>>
      %dma_wait3A_290 = arith.constant 0 : i32
      %dma_wait3A_291 = arith.constant 0 : i32
      %dma_wait3A_292 = tpu.memref_slice %arg6[%dma_wait3A_290, %dma_wait3A_291] : memref<32x2048xf32, #tpu.memory_space<vmem>> -> memref<32x128xf32, #tpu.memory_space<vmem>>
      %dma_wait3A_293 = arith.constant 0 : i32
      %dma_wait3A_294 = arith.constant 0 : i32
      %dma_wait3A_295 = tpu.memref_slice %arg2[%dma_wait3A_293, %dma_wait3A_294] : memref<32x1000000xf32, #tpu.memory_space<hbm>> -> memref<32x128xf32, #tpu.memory_space<hbm>>
      tpu.wait_dma2 semaphore(%arg9 : memref<!tpu.dma_semaphore, #tpu.memory_space<semaphore_mem>>) src(%dma_wait3A_295 : memref<32x128xf32, #tpu.memory_space<hbm>>) dst(%dma_wait3A_292 : memref<32x128xf32, #tpu.memory_space<vmem>>)
      %dma_wait3A_296 = arith.constant 0 : i32
      %dma_wait3A_297 = arith.constant 0 : i32
      %dma_wait3A_298 = tpu.memref_slice %arg6[%dma_wait3A_296, %dma_wait3A_297] : memref<32x2048xf32, #tpu.memory_space<vmem>> -> memref<32x128xf32, #tpu.memory_space<vmem>>
      %dma_wait3A_299 = arith.constant 0 : i32
      %dma_wait3A_300 = arith.constant 0 : i32
      %dma_wait3A_301 = tpu.memref_slice %arg2[%dma_wait3A_299, %dma_wait3A_300] : memref<32x1000000xf32, #tpu.memory_space<hbm>> -> memref<32x128xf32, #tpu.memory_space<hbm>>
      %dma_wait3A_302 = arith.constant 0 : i32
      %dma_wait3A_303 = arith.constant 0 : i32
      %dma_wait3A_304 = tpu.memref_slice %arg6[%dma_wait3A_302, %dma_wait3A_303] : memref<32x2048xf32, #tpu.memory_space<vmem>> -> memref<32x128xf32, #tpu.memory_space<vmem>>
      %dma_wait3A_305 = arith.constant 0 : i32
      %dma_wait3A_306 = arith.constant 0 : i32
      %dma_wait3A_307 = tpu.memref_slice %arg2[%dma_wait3A_305, %dma_wait3A_306] : memref<32x1000000xf32, #tpu.memory_space<hbm>> -> memref<32x128xf32, #tpu.memory_space<hbm>>
      tpu.wait_dma2 semaphore(%arg9 : memref<!tpu.dma_semaphore, #tpu.memory_space<semaphore_mem>>) src(%dma_wait3A_307 : memref<32x128xf32, #tpu.memory_space<hbm>>) dst(%dma_wait3A_304 : memref<32x128xf32, #tpu.memory_space<vmem>>)
      %dma_wait3A_308 = arith.constant 0 : i32
      %dma_wait3A_309 = arith.constant 0 : i32
      %dma_wait3A_310 = tpu.memref_slice %arg6[%dma_wait3A_308, %dma_wait3A_309] : memref<32x2048xf32, #tpu.memory_space<vmem>> -> memref<32x128xf32, #tpu.memory_space<vmem>>
      %dma_wait3A_311 = arith.constant 0 : i32
      %dma_wait3A_312 = arith.constant 0 : i32
      %dma_wait3A_313 = tpu.memref_slice %arg2[%dma_wait3A_311, %dma_wait3A_312] : memref<32x1000000xf32, #tpu.memory_space<hbm>> -> memref<32x128xf32, #tpu.memory_space<hbm>>
      %dma_wait3A_314 = arith.constant 0 : i32
      %dma_wait3A_315 = arith.constant 0 : i32
      %dma_wait3A_316 = tpu.memref_slice %arg6[%dma_wait3A_314, %dma_wait3A_315] : memref<32x2048xf32, #tpu.memory_space<vmem>> -> memref<32x128xf32, #tpu.memory_space<vmem>>
      %dma_wait3A_317 = arith.constant 0 : i32
      %dma_wait3A_318 = arith.constant 0 : i32
      %dma_wait3A_319 = tpu.memref_slice %arg2[%dma_wait3A_317, %dma_wait3A_318] : memref<32x1000000xf32, #tpu.memory_space<hbm>> -> memref<32x128xf32, #tpu.memory_space<hbm>>
      tpu.wait_dma2 semaphore(%arg9 : memref<!tpu.dma_semaphore, #tpu.memory_space<semaphore_mem>>) src(%dma_wait3A_319 : memref<32x128xf32, #tpu.memory_space<hbm>>) dst(%dma_wait3A_316 : memref<32x128xf32, #tpu.memory_space<vmem>>)
      %dma_wait3A_320 = arith.constant 0 : i32
      %dma_wait3A_321 = arith.constant 0 : i32
      %dma_wait3A_322 = tpu.memref_slice %arg6[%dma_wait3A_320, %dma_wait3A_321] : memref<32x2048xf32, #tpu.memory_space<vmem>> -> memref<32x128xf32, #tpu.memory_space<vmem>>
      %dma_wait3A_323 = arith.constant 0 : i32
      %dma_wait3A_324 = arith.constant 0 : i32
      %dma_wait3A_325 = tpu.memref_slice %arg2[%dma_wait3A_323, %dma_wait3A_324] : memref<32x1000000xf32, #tpu.memory_space<hbm>> -> memref<32x128xf32, #tpu.memory_space<hbm>>
      %dma_wait3A_326 = arith.constant 0 : i32
      %dma_wait3A_327 = arith.constant 0 : i32
      %dma_wait3A_328 = tpu.memref_slice %arg6[%dma_wait3A_326, %dma_wait3A_327] : memref<32x2048xf32, #tpu.memory_space<vmem>> -> memref<32x128xf32, #tpu.memory_space<vmem>>
      %dma_wait3A_329 = arith.constant 0 : i32
      %dma_wait3A_330 = arith.constant 0 : i32
      %dma_wait3A_331 = tpu.memref_slice %arg2[%dma_wait3A_329, %dma_wait3A_330] : memref<32x1000000xf32, #tpu.memory_space<hbm>> -> memref<32x128xf32, #tpu.memory_space<hbm>>
      tpu.wait_dma2 semaphore(%arg9 : memref<!tpu.dma_semaphore, #tpu.memory_space<semaphore_mem>>) src(%dma_wait3A_331 : memref<32x128xf32, #tpu.memory_space<hbm>>) dst(%dma_wait3A_328 : memref<32x128xf32, #tpu.memory_space<vmem>>)
      %dma_wait3A_332 = arith.constant 0 : i32
      %dma_wait3A_333 = arith.constant 0 : i32
      %dma_wait3A_334 = tpu.memref_slice %arg6[%dma_wait3A_332, %dma_wait3A_333] : memref<32x2048xf32, #tpu.memory_space<vmem>> -> memref<32x128xf32, #tpu.memory_space<vmem>>
      %dma_wait3A_335 = arith.constant 0 : i32
      %dma_wait3A_336 = arith.constant 0 : i32
      %dma_wait3A_337 = tpu.memref_slice %arg2[%dma_wait3A_335, %dma_wait3A_336] : memref<32x1000000xf32, #tpu.memory_space<hbm>> -> memref<32x128xf32, #tpu.memory_space<hbm>>
      %dma_wait3A_338 = arith.constant 0 : i32
      %dma_wait3A_339 = arith.constant 0 : i32
      %dma_wait3A_340 = tpu.memref_slice %arg6[%dma_wait3A_338, %dma_wait3A_339] : memref<32x2048xf32, #tpu.memory_space<vmem>> -> memref<32x128xf32, #tpu.memory_space<vmem>>
      %dma_wait3A_341 = arith.constant 0 : i32
      %dma_wait3A_342 = arith.constant 0 : i32
      %dma_wait3A_343 = tpu.memref_slice %arg2[%dma_wait3A_341, %dma_wait3A_342] : memref<32x1000000xf32, #tpu.memory_space<hbm>> -> memref<32x128xf32, #tpu.memory_space<hbm>>
      tpu.wait_dma2 semaphore(%arg9 : memref<!tpu.dma_semaphore, #tpu.memory_space<semaphore_mem>>) src(%dma_wait3A_343 : memref<32x128xf32, #tpu.memory_space<hbm>>) dst(%dma_wait3A_340 : memref<32x128xf32, #tpu.memory_space<vmem>>)
      %dma_wait3A_344 = arith.constant 0 : i32
      %dma_wait3A_345 = arith.constant 0 : i32
      %dma_wait3A_346 = tpu.memref_slice %arg6[%dma_wait3A_344, %dma_wait3A_345] : memref<32x2048xf32, #tpu.memory_space<vmem>> -> memref<32x128xf32, #tpu.memory_space<vmem>>
      %dma_wait3A_347 = arith.constant 0 : i32
      %dma_wait3A_348 = arith.constant 0 : i32
      %dma_wait3A_349 = tpu.memref_slice %arg2[%dma_wait3A_347, %dma_wait3A_348] : memref<32x1000000xf32, #tpu.memory_space<hbm>> -> memref<32x128xf32, #tpu.memory_space<hbm>>
      %dma_wait3A_350 = arith.constant 0 : i32
      %dma_wait3A_351 = arith.constant 0 : i32
      %dma_wait3A_352 = tpu.memref_slice %arg6[%dma_wait3A_350, %dma_wait3A_351] : memref<32x2048xf32, #tpu.memory_space<vmem>> -> memref<32x128xf32, #tpu.memory_space<vmem>>
      %dma_wait3A_353 = arith.constant 0 : i32
      %dma_wait3A_354 = arith.constant 0 : i32
      %dma_wait3A_355 = tpu.memref_slice %arg2[%dma_wait3A_353, %dma_wait3A_354] : memref<32x1000000xf32, #tpu.memory_space<hbm>> -> memref<32x128xf32, #tpu.memory_space<hbm>>
      tpu.wait_dma2 semaphore(%arg9 : memref<!tpu.dma_semaphore, #tpu.memory_space<semaphore_mem>>) src(%dma_wait3A_355 : memref<32x128xf32, #tpu.memory_space<hbm>>) dst(%dma_wait3A_352 : memref<32x128xf32, #tpu.memory_space<vmem>>)
      %dma_wait3A_356 = arith.constant 0 : i32
      %dma_wait3A_357 = arith.constant 0 : i32
      %dma_wait3A_358 = tpu.memref_slice %arg6[%dma_wait3A_356, %dma_wait3A_357] : memref<32x2048xf32, #tpu.memory_space<vmem>> -> memref<32x128xf32, #tpu.memory_space<vmem>>
      %dma_wait3A_359 = arith.constant 0 : i32
      %dma_wait3A_360 = arith.constant 0 : i32
      %dma_wait3A_361 = tpu.memref_slice %arg2[%dma_wait3A_359, %dma_wait3A_360] : memref<32x1000000xf32, #tpu.memory_space<hbm>> -> memref<32x128xf32, #tpu.memory_space<hbm>>
      %dma_wait3A_362 = arith.constant 0 : i32
      %dma_wait3A_363 = arith.constant 0 : i32
      %dma_wait3A_364 = tpu.memref_slice %arg6[%dma_wait3A_362, %dma_wait3A_363] : memref<32x2048xf32, #tpu.memory_space<vmem>> -> memref<32x128xf32, #tpu.memory_space<vmem>>
      %dma_wait3A_365 = arith.constant 0 : i32
      %dma_wait3A_366 = arith.constant 0 : i32
      %dma_wait3A_367 = tpu.memref_slice %arg2[%dma_wait3A_365, %dma_wait3A_366] : memref<32x1000000xf32, #tpu.memory_space<hbm>> -> memref<32x128xf32, #tpu.memory_space<hbm>>
      tpu.wait_dma2 semaphore(%arg9 : memref<!tpu.dma_semaphore, #tpu.memory_space<semaphore_mem>>) src(%dma_wait3A_367 : memref<32x128xf32, #tpu.memory_space<hbm>>) dst(%dma_wait3A_364 : memref<32x128xf32, #tpu.memory_space<vmem>>)
      %dma_wait3A_368 = arith.constant 0 : i32
      %dma_wait3A_369 = arith.constant 0 : i32
      %dma_wait3A_370 = tpu.memref_slice %arg6[%dma_wait3A_368, %dma_wait3A_369] : memref<32x2048xf32, #tpu.memory_space<vmem>> -> memref<32x128xf32, #tpu.memory_space<vmem>>
      %dma_wait3A_371 = arith.constant 0 : i32
      %dma_wait3A_372 = arith.constant 0 : i32
      %dma_wait3A_373 = tpu.memref_slice %arg2[%dma_wait3A_371, %dma_wait3A_372] : memref<32x1000000xf32, #tpu.memory_space<hbm>> -> memref<32x128xf32, #tpu.memory_space<hbm>>
      %dma_wait3A_374 = arith.constant 0 : i32
      %dma_wait3A_375 = arith.constant 0 : i32
      %dma_wait3A_376 = tpu.memref_slice %arg6[%dma_wait3A_374, %dma_wait3A_375] : memref<32x2048xf32, #tpu.memory_space<vmem>> -> memref<32x128xf32, #tpu.memory_space<vmem>>
      %dma_wait3A_377 = arith.constant 0 : i32
      %dma_wait3A_378 = arith.constant 0 : i32
      %dma_wait3A_379 = tpu.memref_slice %arg2[%dma_wait3A_377, %dma_wait3A_378] : memref<32x1000000xf32, #tpu.memory_space<hbm>> -> memref<32x128xf32, #tpu.memory_space<hbm>>
      tpu.wait_dma2 semaphore(%arg9 : memref<!tpu.dma_semaphore, #tpu.memory_space<semaphore_mem>>) src(%dma_wait3A_379 : memref<32x128xf32, #tpu.memory_space<hbm>>) dst(%dma_wait3A_376 : memref<32x128xf32, #tpu.memory_space<vmem>>)
    } else {
    }
    %rem3A_146 = arith.constant 63 : i32
    %rem3A_147 = arith.constant 2 : i32
    %rem3A_148 = arith.remsi %rem3A_146, %rem3A_147 : i32
    %get3A_149 = arith.constant 504 : index
    %get3A_150 = tpu.vector_load %arg5[%get3A_149] {strides = array<i32>} : memref<528xi32, #tpu.memory_space<vmem>>, vector<16xi32>,
    %shift_right_arithmetic3A_151 = arith.constant 7 : i32
    %shift_right_arithmetic3A_152 = vector.broadcast %shift_right_arithmetic3A_151 : i32 to vector<16xi32>
    %shift_right_arithmetic3A_153 = arith.shrsi %get3A_150, %shift_right_arithmetic3A_152 : vector<16xi32>
    %shift_left3A_154 = arith.constant 7 : i32
    %shift_left3A_155 = vector.broadcast %shift_left3A_154 : i32 to vector<16xi32>
    %shift_left3A_156 = arith.shli %shift_right_arithmetic3A_153, %shift_left3A_155 : vector<16xi32>
    %sub3A = arith.subi %get3A_150, %shift_left3A_156 : vector<16xi32>
    %mul3A_157 = arith.constant 1024 : i32
    %mul3A_158 = arith.muli %rem3A_148, %mul3A_157 : i32
    %add3A_159 = arith.constant 0 : i32
    %add3A_160 = arith.addi %mul3A_158, %add3A_159 : i32
    %slice3A_161 = vector.extract_strided_slice %sub3A {offsets = [0], sizes = [1], strides = [1]} : vector<16xi32> to vector<1xi32>
    %squeeze3A_162 = vector.extract %slice3A_161[0] : i32 from vector<1xi32>
    %add3A_163 = arith.addi %add3A_160, %squeeze3A_162 : i32
    %broadcast_in_dim3A = vector.broadcast %add3A_163 : i32 to vector<16xi32>
    %gather3A = tpu.vector_load_idx %arg6[%iota3A, %broadcast_in_dim3A] : memref<32x2048xf32, #tpu.memory_space<vmem>>[vector<16xi32>, vector<16xi32>], vector<16xf32>,
    %gather3A_164 = tpu.vector_load_idx %arg6[%add3A_5, %broadcast_in_dim3A] : memref<32x2048xf32, #tpu.memory_space<vmem>>[vector<16xi32>, vector<16xi32>], vector<16xf32>,
    %add3A_165 = arith.constant 16128 : i32
    %add3A_166 = vector.broadcast %add3A_165 : i32 to vector<16xi32>
    %add3A_167 = arith.addi %add3A_166, %iota3A : vector<16xi32>
    tpu.vector_store_idx %arg7[%add3A_167], %gather3A : memref<16384xf32, #tpu.memory_space<vmem>>[vector<16xi32>], vector<16xf32>,
    %add3A_168 = arith.constant 16144 : i32
    %add3A_169 = vector.broadcast %add3A_168 : i32 to vector<16xi32>
    %add3A_170 = arith.addi %add3A_169, %iota3A : vector<16xi32>
    tpu.vector_store_idx %arg7[%add3A_170], %gather3A_164 : memref<16384xf32, #tpu.memory_space<vmem>>[vector<16xi32>], vector<16xf32>,
    %mul3A_171 = arith.constant 1024 : i32
    %mul3A_172 = arith.muli %rem3A_148, %mul3A_171 : i32
    %add3A_173 = arith.constant 128 : i32
    %add3A_174 = arith.addi %mul3A_172, %add3A_173 : i32
    %slice3A_175 = vector.extract_strided_slice %sub3A {offsets = [1], sizes = [1], strides = [1]} : vector<16xi32> to vector<1xi32>
    %squeeze3A_176 = vector.extract %slice3A_175[0] : i32 from vector<1xi32>
    %add3A_177 = arith.addi %add3A_174, %squeeze3A_176 : i32
    %broadcast_in_dim3A_178 = vector.broadcast %add3A_177 : i32 to vector<16xi32>
    %gather3A_179 = tpu.vector_load_idx %arg6[%iota3A, %broadcast_in_dim3A_178] : memref<32x2048xf32, #tpu.memory_space<vmem>>[vector<16xi32>, vector<16xi32>], vector<16xf32>,
    %gather3A_180 = tpu.vector_load_idx %arg6[%add3A_5, %broadcast_in_dim3A_178] : memref<32x2048xf32, #tpu.memory_space<vmem>>[vector<16xi32>, vector<16xi32>], vector<16xf32>,
    %add3A_181 = arith.constant 16160 : i32
    %add3A_182 = vector.broadcast %add3A_181 : i32 to vector<16xi32>
    %add3A_183 = arith.addi %add3A_182, %iota3A : vector<16xi32>
    tpu.vector_store_idx %arg7[%add3A_183], %gather3A_179 : memref<16384xf32, #tpu.memory_space<vmem>>[vector<16xi32>], vector<16xf32>,
    %add3A_184 = arith.constant 16176 : i32
    %add3A_185 = vector.broadcast %add3A_184 : i32 to vector<16xi32>
    %add3A_186 = arith.addi %add3A_185, %iota3A : vector<16xi32>
    tpu.vector_store_idx %arg7[%add3A_186], %gather3A_180 : memref<16384xf32, #tpu.memory_space<vmem>>[vector<16xi32>], vector<16xf32>,
    %mul3A_187 = arith.constant 1024 : i32
    %mul3A_188 = arith.muli %rem3A_148, %mul3A_187 : i32
    %add3A_189 = arith.constant 256 : i32
    %add3A_190 = arith.addi %mul3A_188, %add3A_189 : i32
    %slice3A_191 = vector.extract_strided_slice %sub3A {offsets = [2], sizes = [1], strides = [1]} : vector<16xi32> to vector<1xi32>
    %squeeze3A_192 = vector.extract %slice3A_191[0] : i32 from vector<1xi32>
    %add3A_193 = arith.addi %add3A_190, %squeeze3A_192 : i32
    %broadcast_in_dim3A_194 = vector.broadcast %add3A_193 : i32 to vector<16xi32>
    %gather3A_195 = tpu.vector_load_idx %arg6[%iota3A, %broadcast_in_dim3A_194] : memref<32x2048xf32, #tpu.memory_space<vmem>>[vector<16xi32>, vector<16xi32>], vector<16xf32>,
    %gather3A_196 = tpu.vector_load_idx %arg6[%add3A_5, %broadcast_in_dim3A_194] : memref<32x2048xf32, #tpu.memory_space<vmem>>[vector<16xi32>, vector<16xi32>], vector<16xf32>,
    %add3A_197 = arith.constant 16192 : i32
    %add3A_198 = vector.broadcast %add3A_197 : i32 to vector<16xi32>
    %add3A_199 = arith.addi %add3A_198, %iota3A : vector<16xi32>
    tpu.vector_store_idx %arg7[%add3A_199], %gather3A_195 : memref<16384xf32, #tpu.memory_space<vmem>>[vector<16xi32>], vector<16xf32>,
    %add3A_200 = arith.constant 16208 : i32
    %add3A_201 = vector.broadcast %add3A_200 : i32 to vector<16xi32>
    %add3A_202 = arith.addi %add3A_201, %iota3A : vector<16xi32>
    tpu.vector_store_idx %arg7[%add3A_202], %gather3A_196 : memref<16384xf32, #tpu.memory_space<vmem>>[vector<16xi32>], vector<16xf32>,
    %mul3A_203 = arith.constant 1024 : i32
    %mul3A_204 = arith.muli %rem3A_148, %mul3A_203 : i32
    %add3A_205 = arith.constant 384 : i32
    %add3A_206 = arith.addi %mul3A_204, %add3A_205 : i32
    %slice3A_207 = vector.extract_strided_slice %sub3A {offsets = [3], sizes = [1], strides = [1]} : vector<16xi32> to vector<1xi32>
    %squeeze3A_208 = vector.extract %slice3A_207[0] : i32 from vector<1xi32>
    %add3A_209 = arith.addi %add3A_206, %squeeze3A_208 : i32
    %broadcast_in_dim3A_210 = vector.broadcast %add3A_209 : i32 to vector<16xi32>
    %gather3A_211 = tpu.vector_load_idx %arg6[%iota3A, %broadcast_in_dim3A_210] : memref<32x2048xf32, #tpu.memory_space<vmem>>[vector<16xi32>, vector<16xi32>], vector<16xf32>,
    %gather3A_212 = tpu.vector_load_idx %arg6[%add3A_5, %broadcast_in_dim3A_210] : memref<32x2048xf32, #tpu.memory_space<vmem>>[vector<16xi32>, vector<16xi32>], vector<16xf32>,
    %add3A_213 = arith.constant 16224 : i32
    %add3A_214 = vector.broadcast %add3A_213 : i32 to vector<16xi32>
    %add3A_215 = arith.addi %add3A_214, %iota3A : vector<16xi32>
    tpu.vector_store_idx %arg7[%add3A_215], %gather3A_211 : memref<16384xf32, #tpu.memory_space<vmem>>[vector<16xi32>], vector<16xf32>,
    %add3A_216 = arith.constant 16240 : i32
    %add3A_217 = vector.broadcast %add3A_216 : i32 to vector<16xi32>
    %add3A_218 = arith.addi %add3A_217, %iota3A : vector<16xi32>
    tpu.vector_store_idx %arg7[%add3A_218], %gather3A_212 : memref<16384xf32, #tpu.memory_space<vmem>>[vector<16xi32>], vector<16xf32>,
    %mul3A_219 = arith.constant 1024 : i32
    %mul3A_220 = arith.muli %rem3A_148, %mul3A_219 : i32
    %add3A_221 = arith.constant 512 : i32
    %add3A_222 = arith.addi %mul3A_220, %add3A_221 : i32
    %slice3A_223 = vector.extract_strided_slice %sub3A {offsets = [4], sizes = [1], strides = [1]} : vector<16xi32> to vector<1xi32>
    %squeeze3A_224 = vector.extract %slice3A_223[0] : i32 from vector<1xi32>
    %add3A_225 = arith.addi %add3A_222, %squeeze3A_224 : i32
    %broadcast_in_dim3A_226 = vector.broadcast %add3A_225 : i32 to vector<16xi32>
    %gather3A_227 = tpu.vector_load_idx %arg6[%iota3A, %broadcast_in_dim3A_226] : memref<32x2048xf32, #tpu.memory_space<vmem>>[vector<16xi32>, vector<16xi32>], vector<16xf32>,
    %gather3A_228 = tpu.vector_load_idx %arg6[%add3A_5, %broadcast_in_dim3A_226] : memref<32x2048xf32, #tpu.memory_space<vmem>>[vector<16xi32>, vector<16xi32>], vector<16xf32>,
    %add3A_229 = arith.constant 16256 : i32
    %add3A_230 = vector.broadcast %add3A_229 : i32 to vector<16xi32>
    %add3A_231 = arith.addi %add3A_230, %iota3A : vector<16xi32>
    tpu.vector_store_idx %arg7[%add3A_231], %gather3A_227 : memref<16384xf32, #tpu.memory_space<vmem>>[vector<16xi32>], vector<16xf32>,
    %add3A_232 = arith.constant 16272 : i32
    %add3A_233 = vector.broadcast %add3A_232 : i32 to vector<16xi32>
    %add3A_234 = arith.addi %add3A_233, %iota3A : vector<16xi32>
    tpu.vector_store_idx %arg7[%add3A_234], %gather3A_228 : memref<16384xf32, #tpu.memory_space<vmem>>[vector<16xi32>], vector<16xf32>,
    %mul3A_235 = arith.constant 1024 : i32
    %mul3A_236 = arith.muli %rem3A_148, %mul3A_235 : i32
    %add3A_237 = arith.constant 640 : i32
    %add3A_238 = arith.addi %mul3A_236, %add3A_237 : i32
    %slice3A_239 = vector.extract_strided_slice %sub3A {offsets = [5], sizes = [1], strides = [1]} : vector<16xi32> to vector<1xi32>
    %squeeze3A_240 = vector.extract %slice3A_239[0] : i32 from vector<1xi32>
    %add3A_241 = arith.addi %add3A_238, %squeeze3A_240 : i32
    %broadcast_in_dim3A_242 = vector.broadcast %add3A_241 : i32 to vector<16xi32>
    %gather3A_243 = tpu.vector_load_idx %arg6[%iota3A, %broadcast_in_dim3A_242] : memref<32x2048xf32, #tpu.memory_space<vmem>>[vector<16xi32>, vector<16xi32>], vector<16xf32>,
    %gather3A_244 = tpu.vector_load_idx %arg6[%add3A_5, %broadcast_in_dim3A_242] : memref<32x2048xf32, #tpu.memory_space<vmem>>[vector<16xi32>, vector<16xi32>], vector<16xf32>,
    %add3A_245 = arith.constant 16288 : i32
    %add3A_246 = vector.broadcast %add3A_245 : i32 to vector<16xi32>
    %add3A_247 = arith.addi %add3A_246, %iota3A : vector<16xi32>
    tpu.vector_store_idx %arg7[%add3A_247], %gather3A_243 : memref<16384xf32, #tpu.memory_space<vmem>>[vector<16xi32>], vector<16xf32>,
    %add3A_248 = arith.constant 16304 : i32
    %add3A_249 = vector.broadcast %add3A_248 : i32 to vector<16xi32>
    %add3A_250 = arith.addi %add3A_249, %iota3A : vector<16xi32>
    tpu.vector_store_idx %arg7[%add3A_250], %gather3A_244 : memref<16384xf32, #tpu.memory_space<vmem>>[vector<16xi32>], vector<16xf32>,
    %mul3A_251 = arith.constant 1024 : i32
    %mul3A_252 = arith.muli %rem3A_148, %mul3A_251 : i32
    %add3A_253 = arith.constant 768 : i32
    %add3A_254 = arith.addi %mul3A_252, %add3A_253 : i32
    %slice3A_255 = vector.extract_strided_slice %sub3A {offsets = [6], sizes = [1], strides = [1]} : vector<16xi32> to vector<1xi32>
    %squeeze3A_256 = vector.extract %slice3A_255[0] : i32 from vector<1xi32>
    %add3A_257 = arith.addi %add3A_254, %squeeze3A_256 : i32
    %broadcast_in_dim3A_258 = vector.broadcast %add3A_257 : i32 to vector<16xi32>
    %gather3A_259 = tpu.vector_load_idx %arg6[%iota3A, %broadcast_in_dim3A_258] : memref<32x2048xf32, #tpu.memory_space<vmem>>[vector<16xi32>, vector<16xi32>], vector<16xf32>,
    %gather3A_260 = tpu.vector_load_idx %arg6[%add3A_5, %broadcast_in_dim3A_258] : memref<32x2048xf32, #tpu.memory_space<vmem>>[vector<16xi32>, vector<16xi32>], vector<16xf32>,
    %add3A_261 = arith.constant 16320 : i32
    %add3A_262 = vector.broadcast %add3A_261 : i32 to vector<16xi32>
    %add3A_263 = arith.addi %add3A_262, %iota3A : vector<16xi32>
    tpu.vector_store_idx %arg7[%add3A_263], %gather3A_259 : memref<16384xf32, #tpu.memory_space<vmem>>[vector<16xi32>], vector<16xf32>,
    %add3A_264 = arith.constant 16336 : i32
    %add3A_265 = vector.broadcast %add3A_264 : i32 to vector<16xi32>
    %add3A_266 = arith.addi %add3A_265, %iota3A : vector<16xi32>
    tpu.vector_store_idx %arg7[%add3A_266], %gather3A_260 : memref<16384xf32, #tpu.memory_space<vmem>>[vector<16xi32>], vector<16xf32>,
    %mul3A_267 = arith.constant 1024 : i32
    %mul3A_268 = arith.muli %rem3A_148, %mul3A_267 : i32
    %add3A_269 = arith.constant 896 : i32
    %add3A_270 = arith.addi %mul3A_268, %add3A_269 : i32
    %slice3A_271 = vector.extract_strided_slice %sub3A {offsets = [7], sizes = [1], strides = [1]} : vector<16xi32> to vector<1xi32>
    %squeeze3A_272 = vector.extract %slice3A_271[0] : i32 from vector<1xi32>
    %add3A_273 = arith.addi %add3A_270, %squeeze3A_272 : i32
    %broadcast_in_dim3A_274 = vector.broadcast %add3A_273 : i32 to vector<16xi32>
    %gather3A_275 = tpu.vector_load_idx %arg6[%iota3A, %broadcast_in_dim3A_274] : memref<32x2048xf32, #tpu.memory_space<vmem>>[vector<16xi32>, vector<16xi32>], vector<16xf32>,
    %gather3A_276 = tpu.vector_load_idx %arg6[%add3A_5, %broadcast_in_dim3A_274] : memref<32x2048xf32, #tpu.memory_space<vmem>>[vector<16xi32>, vector<16xi32>], vector<16xf32>,
    %add3A_277 = arith.constant 16352 : i32
    %add3A_278 = vector.broadcast %add3A_277 : i32 to vector<16xi32>
    %add3A_279 = arith.addi %add3A_278, %iota3A : vector<16xi32>
    tpu.vector_store_idx %arg7[%add3A_279], %gather3A_275 : memref<16384xf32, #tpu.memory_space<vmem>>[vector<16xi32>], vector<16xf32>,
    %add3A_280 = arith.constant 16368 : i32
    %add3A_281 = vector.broadcast %add3A_280 : i32 to vector<16xi32>
    %add3A_282 = arith.addi %add3A_281, %iota3A : vector<16xi32>
    tpu.vector_store_idx %arg7[%add3A_282], %gather3A_276 : memref<16384xf32, #tpu.memory_space<vmem>>[vector<16xi32>], vector<16xf32>,
    %mul3A_283 = arith.constant 32 : i32
    %mul3A_284 = arith.muli %mul3A_2, %mul3A_283 : i32
    "tpu.region"() ({
      %run_scoped3A = tpu.sem_alloc : memref<!tpu.dma_semaphore, #tpu.memory_space<semaphore_mem>>
      %dma_start3A_285 = tpu.memref_slice %arg4[%mul3A_284] : memref<524288xf32, #tpu.memory_space<hbm>> -> memref<16384xf32, #tpu.memory_space<hbm>>
      %dma_start3A_286 = tpu.memref_slice %arg4[%mul3A_284] : memref<524288xf32, #tpu.memory_space<hbm>> -> memref<16384xf32, #tpu.memory_space<hbm>>
      tpu.enqueue_dma source(%arg7 : memref<16384xf32, #tpu.memory_space<vmem>>) target(%dma_start3A_286 : memref<16384xf32, #tpu.memory_space<hbm>>) target_semaphore(%run_scoped3A : memref<!tpu.dma_semaphore, #tpu.memory_space<semaphore_mem>>)
      %dma_wait3A = tpu.memref_slice %arg4[%mul3A_284] : memref<524288xf32, #tpu.memory_space<hbm>> -> memref<16384xf32, #tpu.memory_space<hbm>>
      %dma_wait3A_287 = tpu.memref_slice %arg4[%mul3A_284] : memref<524288xf32, #tpu.memory_space<hbm>> -> memref<16384xf32, #tpu.memory_space<hbm>>
      tpu.wait_dma2 semaphore(%run_scoped3A : memref<!tpu.dma_semaphore, #tpu.memory_space<semaphore_mem>>) src(%arg7 : memref<16384xf32, #tpu.memory_space<vmem>>) dst(%dma_wait3A_287 : memref<16384xf32, #tpu.memory_space<hbm>>)
      tpu.yield
    }) : () -> ()
    return
  }
}

module attributes {stable_mosaic.version = 14 : i64} {
  func.func @body(%arg0: i32, %arg1: memref<2048x32xf32, #tpu.memory_space<vmem>>, %arg2: memref<32x32xf32, #tpu.memory_space<vmem>>, %arg3: memref<1x32xf32, #tpu.memory_space<vmem>>, %arg4: memref<32x32xf32, #tpu.memory_space<vmem>>, %arg5: memref<32x1xf32, #tpu.memory_space<vmem>>, %arg6: memref<32x2048xf32, #tpu.memory_space<vmem>>) attributes {dimension_semantics = [#tpu.dimension_semantics<arbitrary>], iteration_bounds = array<i64: 8>, scalar_prefetch = 0 : i64, scratch_operands = 0 : i64, tpu.core_type = #tpu.core_type<tc>, window_params = [{transform_indices = @transform_0, window_bounds = array<i64: 2048, 32>}, {pipeline_mode = #tpu.pipeline_mode<synchronous>, transform_indices = @transform_1, window_bounds = array<i64: 32, 32>}, {pipeline_mode = #tpu.pipeline_mode<synchronous>, transform_indices = @transform_2, window_bounds = array<i64: 1, 32>}, {pipeline_mode = #tpu.pipeline_mode<synchronous>, transform_indices = @transform_3, window_bounds = array<i64: 32, 32>}, {pipeline_mode = #tpu.pipeline_mode<synchronous>, transform_indices = @transform_4, window_bounds = array<i64: 32, 1>}, {transform_indices = @transform_5, window_bounds = array<i64: 32, 2048>}]} {
    %get3A = arith.constant 0 : index
    %get3A_0 = arith.constant 0 : index
    %get3A_1 = vector.load %arg1[%get3A, %get3A_0] : memref<2048x32xf32, #tpu.memory_space<vmem>>, vector<2048x32xf32>
    %get3A_2 = arith.constant 0 : index
    %get3A_3 = arith.constant 0 : index
    %get3A_4 = vector.load %arg2[%get3A_2, %get3A_3] : memref<32x32xf32, #tpu.memory_space<vmem>>, vector<32x32xf32>
    %dot_general3A = arith.constant dense<0.000000e+00> : vector<2048x32xf32>
    %dot_general3A_5 = tpu.matmul %get3A_1, %get3A_4, %dot_general3A {dimension_numbers = #tpu.dot_dimension_numbers<[1], [0], [0], [1], [0, 0, 1, 1], [], []>, transpose_lhs_hint = false} : vector<2048x32xf32>, vector<32x32xf32>, vector<2048x32xf32> -> vector<2048x32xf32>
    %get3A_6 = arith.constant 0 : index
    %get3A_7 = arith.constant 0 : index
    %get3A_8 = vector.load %arg3[%get3A_6, %get3A_7] : memref<1x32xf32, #tpu.memory_space<vmem>>, vector<1x32xf32>
    %add3A = vector.broadcast %get3A_8 : vector<1x32xf32> to vector<2048x32xf32>
    %add3A_9 = arith.addf %dot_general3A_5, %add3A : vector<2048x32xf32>
    %get3A_10 = arith.constant 0 : index
    %get3A_11 = arith.constant 0 : index
    %get3A_12 = vector.load %arg4[%get3A_10, %get3A_11] : memref<32x32xf32, #tpu.memory_space<vmem>>, vector<32x32xf32>
    %dot_general3A_13 = arith.constant dense<0.000000e+00> : vector<32x2048xf32>
    %dot_general3A_14 = tpu.matmul %get3A_12, %add3A_9, %dot_general3A_13 {dimension_numbers = #tpu.dot_dimension_numbers<[0], [1], [1], [0], [0, 1, 1, 0], [], []>, transpose_lhs_hint = false} : vector<32x32xf32>, vector<2048x32xf32>, vector<32x2048xf32> -> vector<32x2048xf32>
    %get3A_15 = arith.constant 0 : index
    %get3A_16 = arith.constant 0 : index
    %get3A_17 = vector.load %arg5[%get3A_15, %get3A_16] : memref<32x1xf32, #tpu.memory_space<vmem>>, vector<32x1xf32>
    %add3A_18 = vector.broadcast %get3A_17 : vector<32x1xf32> to vector<32x2048xf32>
    %add3A_19 = arith.addf %dot_general3A_14, %add3A_18 : vector<32x2048xf32>
    %swap3A = arith.constant 0 : index
    %swap3A_20 = arith.constant 0 : index
    %swap3A_21 = vector.load %arg6[%swap3A, %swap3A_20] : memref<32x2048xf32, #tpu.memory_space<vmem>>, vector<32x2048xf32>
    tpu.vector_store %arg6[%swap3A, %swap3A_20], %add3A_19 {strides = array<i32>} : memref<32x2048xf32, #tpu.memory_space<vmem>>, vector<32x2048xf32>,
    return
  }
  func.func @transform_0(%arg0: i32) -> (i32, i32) {
    %c0_i32 = arith.constant 0 : i32
    %c0_i32_0 = arith.constant 0 : i32
    return %arg0, %c0_i32 : i32, i32
  }
  func.func @transform_1(%arg0: i32) -> (i32, i32) {
    %c0_i32 = arith.constant 0 : i32
    %c0_i32_0 = arith.constant 0 : i32
    %c0_i32_1 = arith.constant 0 : i32
    return %c0_i32, %c0_i32_0 : i32, i32
  }
  func.func @transform_2(%arg0: i32) -> (i32, i32) {
    %c0_i32 = arith.constant 0 : i32
    %c0_i32_0 = arith.constant 0 : i32
    %c0_i32_1 = arith.constant 0 : i32
    return %c0_i32, %c0_i32_0 : i32, i32
  }
  func.func @transform_3(%arg0: i32) -> (i32, i32) {
    %c0_i32 = arith.constant 0 : i32
    %c0_i32_0 = arith.constant 0 : i32
    %c0_i32_1 = arith.constant 0 : i32
    return %c0_i32, %c0_i32_0 : i32, i32
  }
  func.func @transform_4(%arg0: i32) -> (i32, i32) {
    %c0_i32 = arith.constant 0 : i32
    %c0_i32_0 = arith.constant 0 : i32
    %c0_i32_1 = arith.constant 0 : i32
    return %c0_i32, %c0_i32_0 : i32, i32
  }
  func.func @transform_5(%arg0: i32) -> (i32, i32) {
    %c0_i32 = arith.constant 0 : i32
    %c0_i32_0 = arith.constant 0 : i32
    return %c0_i32, %arg0 : i32, i32
  }
}

</mosaic_0001>

<sc_bundles>
// kernel: kernel.4.cloned.1.call-start
scs
__scs_entry_jumppad:
0x0: {  	(pc) =	sbr.rel $0x88, $3  }
0x1: {  	(tag) =	ssettag $0x0;
	lr =	simm.s32 $0x1  }
0x2: {  	[smem:$0x3F9B] =	sst lr;
	_ =	strace $0xD0000000  }
0x3: {  	_ = 	snop  }
0x4: {  	_ = 	snop  }
0x5: {  	_ = 	snop  }
0x6: {  	_ = 	snop  }
0x7: {  	_ = 	snop  }
__scs_overlays_trampoline_lowered:
0x8: {  	[smem:$0x3FAA] =	sst s0  }
0x9: {  	[smem:$0x3FAB] =	sst s1  }
0xa: {  	[smem:$0x3FAC] =	sst s2  }
0xb: {  	[smem:$0x3FAD] =	sst s3  }
0xc: {  	[smem:$0x3FAE] =	sst s4  }
0xd: {  	[smem:$0x3FAF] =	sst s5  }
0xe: {  	[smem:$0x3FB0] =	sst s6  }
0xf: {  	[smem:$0x3FB1] =	sst s7  }
0x10: {  	[smem:$0x3FB2] =	sst s8  }
0x11: {  	[smem:$0x3FB3] =	sst s9;
	s0 =	simm.s32 @!p0 $0x0  }
0x12: {  	s1 =	sld [smem:$0x3F99];
	s0 =	simm.s32 @p0 $0x1  }
0x13: {  	[smem:$0x3FB4] =	sst s0;
	s0 =	simm.s32 @!p1 $0x0  }
0x14: {  	s2 =	sld [smem:$0x3F98];
	s0 =	simm.s32 @p1 $0x1  }
0x15: {  	[smem:$0x3FB5] =	sst s0;
	s0 =	simm.s32 @!p2 $0x0  }
0x16: {  	s3 =	sld [smem:$0x3FDB];
	s0 =	simm.s32 @p2 $0x1  }
0x17: {  	s4 =	simm.s32 $0x1BF5;
	[smem:$0x3FB7] =	sst s0  }
0x18: {  	s0 =	sld [smem:$0x3F9A];
	_ =	swait.ge [sflag:s4], $0x0  }
0x19: {  	s7 =	sld [smem:$0x3F9B]  }
0x1a: {  	s8 =	sadd.s32 $0xFFFFE003, lr  }
0x1b: {  	s9 =	sadd.s32 $0xFFFFFEF7, lr;
	s5 =	simm.s32 $0xFFFFFFFF;
	p2 =	slt.u32 s8, $0xFFFFF086  }
0x1c: {  	p1 =	slt.u32 s9, $0xF7A;
	s5 =	simm.s32 @!p2 $0x0  }
0x1d: {  	s5 =	simm.s32 @p1 $0x1;
	p0 =	seq.s32 s7, s2  }
0x1e: {  	s7 =	smul.u32 @!p0 $0xF7A, s2;
	p2 =	seq.s32 @!p0 s5, $0x0  }
0x1f: {  	s9 =	smul.u32 $0xF7A, s1;
	s8 =	simm.s32 @!p0 $0x1BF5;
	p2 =	por !p2, p0  }
0x20: {  	[sflag:s8] =	ssyncset.s32 @!p0 $0xFFFFF086;
	s6 =	sadd.s32 @!p0 s3, s7;
	s7 =	simm.s32 @!p0 $0x108  }
0x21: {  	s3 =	sadd.s32 s3, s9;
	s6 =	sadd.s32 @!p0 $0x88, s6;
	s7 =	simm.s32 @p2 $0x1082  }
0x22: {  	[simem:s7], [sflag:s8] =	dma.local @!p0 [hbm:s6], $0xF7A  }
0x23: {  	s9 =	sor.u32 $0xD0000000, s2;
	s6 =	simm.s32 $0x108;
	_ =	swait.ge @!p0 [sflag:s8], $0x0  }
0x24: {  	s3 =	sadd.s32 $0x88, s3;
	s6 =	simm.s32 @!p1 $0x1082;
	[sflag:s4] =	ssyncset.s32 $0xFFFFF086  }
0x25: {  	[simem:s6], [sflag:s4] =	dma.local [hbm:s3], $0xF7A  }
0x26: {  	[smem:$0x3F9B] =	sst s1;
	(tag) =	ssettag s2;
	_ =	strace s9  }
0x27: {  	s1 =	sld [smem:$0x3FAB]  }
0x28: {  	s2 =	sld [smem:$0x3FAC]  }
0x29: {  	s4 =	sld [smem:$0x3FAE]  }
0x2a: {  	p0 =	seq.s32 s5, $0x0;
	s5 =	sld [smem:$0x3FAF]  }
0x2b: {  	s6 =	sld [smem:$0x3FB0]  }
0x2c: {  	s7 =	sld [smem:$0x3FB1]  }
0x2d: {  	s3 =	simm.s32 $0x108;
	s8 =	sld [smem:$0x3FB2]  }
0x2e: {  	s3 =	simm.s32 @!p0 $0x1082;
	s9 =	sld [smem:$0x3FB3]  }
0x2f: {  	lr =	sadd.s32 s0, s3;
	s0 =	sld [smem:$0x3FAA]  }
0x30: {  	s3 =	sld [smem:$0x3FAD]  }
0x31: {  	[smem:$0x3FB6] =	sst s10  }
0x32: {  	s10 =	sld [smem:$0x3FB4];
	_ =	sdelay $0x3  }
0x33: {  	p0 =	seq.s32 s10, $0x1;
	s10 =	sld [smem:$0x3FB6];
	_ =	sdelay $0x3  }
0x34: {  	[smem:$0x3FB6] =	sst s10  }
0x35: {  	s10 =	sld [smem:$0x3FB5];
	_ =	sdelay $0x3  }
0x36: {  	p1 =	seq.s32 s10, $0x1;
	s10 =	sld [smem:$0x3FB6];
	_ =	sdelay $0x3  }
0x37: {  	[smem:$0x3FB6] =	sst s10  }
0x38: {  	s10 =	sld [smem:$0x3FB7]  }
0x39: {  	_ = 	snop;
	(pc) =	sbr.ind lr, $3  }
0x3a: {  	_ = 	snop  }
0x3b: {  	_ = 	snop  }
0x3c: {  	p2 =	seq.s32 s10, $0x1;
	s10 =	sld [smem:$0x3FB6]  }
0x3d: {  	_ =	shalt  }
0x3e: {  	_ =	shalt  }
0x3f: {  	_ =	shalt  }
0x40: {  	_ =	shalt  }
0x41: {  	_ =	shalt  }
0x42: {  	_ =	shalt  }
0x43: {  	_ =	shalt  }
0x44: {  	_ =	shalt  }
0x45: {  	_ =	shalt  }
0x46: {  	_ =	shalt  }
0x47: {  	_ =	shalt  }
0x48: {  	_ =	shalt  }
0x49: {  	_ =	shalt  }
0x4a: {  	_ =	shalt  }
0x4b: {  	_ =	shalt  }
0x4c: {  	_ =	shalt  }
0x4d: {  	_ =	shalt  }
0x4e: {  	_ =	shalt  }
0x4f: {  	_ =	shalt  }
0x50: {  	_ =	shalt  }
0x51: {  	_ =	shalt  }
0x52: {  	_ =	shalt  }
0x53: {  	_ =	shalt  }
0x54: {  	_ =	shalt  }
0x55: {  	_ =	shalt  }
0x56: {  	_ =	shalt  }
0x57: {  	_ =	shalt  }
0x58: {  	_ =	shalt  }
0x59: {  	_ =	shalt  }
0x5a: {  	_ =	shalt  }
0x5b: {  	_ =	shalt  }
0x5c: {  	_ =	shalt  }
0x5d: {  	_ =	shalt  }
0x5e: {  	_ =	shalt  }
0x5f: {  	_ =	shalt  }
0x60: {  	_ =	shalt  }
0x61: {  	_ =	shalt  }
0x62: {  	_ =	shalt  }
0x63: {  	_ =	shalt  }
0x64: {  	_ =	shalt  }
0x65: {  	_ =	shalt  }
0x66: {  	_ =	shalt  }
0x67: {  	_ =	shalt  }
0x68: {  	_ =	shalt  }
0x69: {  	_ =	shalt  }
0x6a: {  	_ =	shalt  }
0x6b: {  	_ =	shalt  }
0x6c: {  	_ =	shalt  }
0x6d: {  	_ =	shalt  }
0x6e: {  	_ =	shalt  }
0x6f: {  	_ =	shalt  }
0x70: {  	_ =	shalt  }
0x71: {  	_ =	shalt  }
0x72: {  	_ =	shalt  }
0x73: {  	_ =	shalt  }
0x74: {  	_ =	shalt  }
0x75: {  	_ =	shalt  }
0x76: {  	_ =	shalt  }
0x77: {  	_ =	shalt  }
0x78: {  	_ =	shalt  }
0x79: {  	_ =	shalt  }
0x7a: {  	_ =	shalt  }
0x7b: {  	_ =	shalt  }
0x7c: {  	_ =	shalt  }
0x7d: {  	_ =	shalt  }
0x7e: {  	_ =	shalt  }
0x7f: {  	_ =	shalt  }
0x80: {  	_ =	shalt  }
0x81: {  	_ =	shalt  }
0x82: {  	_ =	shalt  }
0x83: {  	_ =	shalt  }
0x84: {  	_ =	shalt  }
0x85: {  	_ =	shalt  }
0x86: {  	_ =	shalt  }
0x87: {  	_ =	shalt  }
.Lfunc_end0:
.L_simem_size_0:
called_computation_lowered:
.L_overlay_start_0:
0x88: {  	s2 =	sld [smem:$0x3FD9]  }
0x89: {  	s3 =	sld [smem:$0x3FFE];
	_ =	sdelay $0x1  }
0x8a: {  	s1 =	srdreg.scid  }
0x8b: {  	s0 =	sand.u32 $0x1, s1  }
0x8c: {  	s18 =	sshll.u32 s0, $0xA;
	s2 =	sadd.s32 s3, s2  }
0x8d: {  	s2 =	sadd.s32 s2, s18  }
0x8e: {  	[smem:$0x3FC2] =	sst s2  }
0x8f: {  	_ = 	snop  }
0x90: {  	s2 =	sld [smem:$0x3FC9]  }
0x91: {  	s19 =	sld [smem:$0x3FC8]  }
0x92: {  	s4 =	sld [smem:$0x3FD0];
	(tm) =	ssettm $0x1  }
0x93: {  	s5 =	sld [smem:$0x3FFB];
	_ =	sdelay $0x3  }
0x94: {  	_ =	strace s5  }
0x95: {  	s5 =	sld [smem:$0x3FFC];
	_ =	sdelay $0x3  }
0x96: {  	_ =	strace s5  }
0x97: {  	s5 =	sld [smem:$0x3FFD];
	_ =	sdelay $0x3  }
0x98: {  	_ =	strace s5  }
0x99: {  	_ =	strace $0x8FFFFFFF  }
0x9a: {  	s20 =	sld [smem:$0x3FDB];
	_ =	sdelay $0x1  }
0x9b: {  	s6 =	simm.s32 $_scs_section_size  }
0x9c: {  	s7 =	simm.s32 $_size__tile_overlayer_lowered;
	s8 =	simm.s32 $_tile_overlayer_lowered  }
0x9d: {  	s23 =	simm.s32 $0x1BFF;
	s22 =	sshll.u32 s8, $0x1;
	s5 =	sadd.s32 s6, s20  }
0x9e: {  	s9 =	simm.s32 $0x0;
	s21 =	sshll.u32 s7, $0x1;
	s7 =	sadd.s32 s22, s5  }
0x9f: {  	[timem:s9], [sflag:s23] =	dma.local [hbm:s7], s21  }
0xa0: {  	_ =	swait.ge [sflag:s23], s21  }
0xa1: {  	s6 =	ssub.s32 $0x0, s21;
	[sflag:s23] =	ssyncset.done $0x0  }
0xa2: {  	[sflag:s23] =	ssyncadd.s32 s6;
	_ =	sdelay $0x1  }
0xa3: {  	s24 =	simm.s32 $0x1B8B  }
0xa4: {  	_ =	swait.ge [sflag:s24], $0x1  }
0xa5: {  	[sflag:s24] =	ssyncset.done $0x0  }
0xa6: {  	s25 =	simm.s32 $0x1B8E;
	[sflag:s24] =	ssyncadd.s32 $0xFFFFFFFF  }
0xa7: {  	s26 =	simm.s32 $execute0_lowered;
	[smem:$0x3FD2] =	sst s25  }
0xa8: {  	s6 =	sshll.u32 s26, $0x1;
	_ =	strace $0x80000046;
	[dreg:$0x1] =	wrdreg $0xFFFFFFFF  }
0xa9: {  	s28 =	simm.s32 $_size_execute0_lowered;
	s5 =	sadd.s32 s5, s6;
	[dreg:$0x0] =	wrdreg $0x0  }
0xaa: {  	s6 =	sshll.u32 s28, $0x1;
	[dreg:$0x2] =	wrdreg s5  }
0xab: {  	[dreg:$0x3] =	wrdreg s6  }
0xac: {  	[dreg:$0x4] =	wrdreg $0xC0  }
0xad: {  	_ =	task [dreg:s9], $0x5FFFF  }
0xae: {  	[dreg:$0x1] =	wrdreg $0xFFFFFFFF  }
0xaf: {  	[dreg:$0x0] =	wrdreg $0x60  }
0xb0: {  	[dreg:$0x2] =	wrdreg s19  }
0xb1: {  	[dreg:$0x3] =	wrdreg s2  }
0xb2: {  	[dreg:$0x4] =	wrdreg s4  }
0xb3: {  	[dreg:$0x5] =	wrdreg $0x9  }
0xb4: {  	_ =	task.clear_ibuf [dreg:s9], $0x6FFFF;
	_ =	strace $0x90000046  }
0xb5: {  	s29 =	simm.s32 $0x9;
	_ =	strace $0x80000048  }
0xb6: {  	_ =	swait.ge [sflag:s29], $0x1  }
0xb7: {  	[sflag:s29] =	ssyncadd.s32 $0xFFFFFFFF  }
0xb8: {  	_ =	strace $0x90000048  }
0xb9: {  	_ =	sfence  }
0xba: {  	s30 =	sld [smem:$0x0];
	_ =	sdelay $0x2  }
0xbb: {  	s31 =	sshll.u32 s1, $0xD;
	s1 =	sshrl.u32 s1, $0x2  }
0xbc: {  	s3 =	sand.u32 $0x4000, s31;
	s1 =	sadd.s32 s1, s30  }
0xbd: {  	s0 =	sor.u32 s3, s0;
	s1 =	sshll.u32 s1, $0x11  }
0xbe: {  	s0 =	sor.u32 s1, s0  }
0xbf: {  	s0 =	sadd.s32 $0x8F2B, s0  }
0xc0: {  	[sflag:s0] =	ssyncadd.remote.s32 $0x1  }
0xc1: {  	_ =	sfence.sel $0xFFFF  }
0xc2: {  	[dreg:$0x0] =	wrdreg $0xFFFFFFFF;
	(pc) =	sbr.abs _section_cstart, $3  }
0xc3: {  	[dreg:$0x1] =	wrdreg $0xFFFFFFFF  }
0xc4: {  	_ =	task.clear_ibuf [dreg:s9], $0x2FFFF;
	_ =	strace $0x9FFFFFFF  }
0xc5: {  	(tm) =	ssettm $0x7FFFFFFF  }
tec
execute0_lowered:
.L_overlay_start_1:
0x0: {  	(tag) =	ssettag $0x1  }
0x1: {  	v0 =	vimm.s32 $0x4380  }
0x2: {  	vm14 =	vcmask $0x300;
	vm13 =	vcmask $0x704;
	vm12 =	vcmask $0xB08  }
0x3: {  	vm11 =	vcmask $0xF0C;
	vm10 =	vcmask $0x1310;
	vm9 =	vcmask $0x1714  }
0x4: {  	v1 =	vimm.s32 $0xC380;
	vm8 =	vcmask $0x1B18;
	vm7 =	vcmask $0x1F1C  }
0x5: {  	vm6 =	vcmask $0x2320;
	vm5 =	vcmask $0x2724;
	vm3 =	vcmask $0x2B28  }
0x6: {  	v2 =	vimm.s32 $0x6380;
	vm0 =	vcmask $0x2F2C;
	vm1 =	vcmask $0x3330  }
0x7: {  	vm2 =	vcmask $0x3734;
	vm4 =	vcmask $0x3B38;
	v3 =	vimm.s32 $0x0  }
0x8: {  	v11 =	vimm.s32 $0xE380;
	v14 =	vimm.s32 $0xE780;
	v18 =	vimm.s32 $0x6B80  }
0x9: {  	v20 =	vimm.s32 $0xEB80;
	v21 =	vimm.s32 $0x6F80;
	v23 =	vimm.s32 $0xEF80  }
0xa: {  	v26 =	vimm.s32 $0xF380;
	v30 =	vimm.s32 $0x7780;
	v32 =	vimm.s32 $0xF780  }
0xb: {  	v33 =	vimm.s32 $0x7B80;
	v35 =	vimm.s32 $0xFB80;
	v63 =	vimm.s32 $0x7F80  }
0xc: {  	v38 =	vimm.s32 $0xFF80;
	v0 =	vsel vm14, $0x0, v0;
	v1 =	vsel vm14, $0x8000, v1  }
0xd: {  	v2 =	vsel vm14, $0x2000, v2;
	v13 =	vsel vm14, $0xA000, v11;
	v14 =	vsel vm14, $0xA400, v14  }
0xe: {  	v19 =	vsel vm14, $0x2800, v18;
	v20 =	vsel vm14, $0xA800, v20;
	v21 =	vsel vm14, $0x2C00, v21  }
0xf: {  	v25 =	vsel vm14, $0xAC00, v23;
	v26 =	vsel vm14, $0xB000, v26;
	v31 =	vsel vm14, $0x3400, v30  }
0x10: {  	v32 =	vsel vm14, $0xB400, v32;
	v33 =	vsel vm14, $0x3800, v33;
	v37 =	vsel vm14, $0xB800, v35  }
0x11: {  	v38 =	vsel vm14, $0xBC00, v38;
	v0 =	vsel vm13, $0x80, v0;
	v1 =	vsel vm13, $0x8080, v1  }
0x12: {  	v2 =	vsel vm13, $0x2080, v2;
	v14 =	vsel vm13, $0xA480, v14;
	v19 =	vsel vm13, $0x2880, v19  }
0x13: {  	v20 =	vsel vm13, $0xA880, v20;
	v21 =	vsel vm13, $0x2C80, v21;
	v26 =	vsel vm13, $0xB080, v26  }
0x14: {  	v31 =	vsel vm13, $0x3480, v31;
	v32 =	vsel vm13, $0xB480, v32;
	v33 =	vsel vm13, $0x3880, v33  }
0x15: {  	v62 =	vsel vm13, $0xB880, v37;
	v37 =	vsel vm14, $0x3C00, v63;
	v38 =	vsel vm13, $0xBC80, v38  }
0x16: {  	v0 =	vsel vm12, $0x100, v0;
	v1 =	vsel vm12, $0x8100, v1;
	v2 =	vsel vm12, $0x2100, v2  }
0x17: {  	v14 =	vsel vm12, $0xA500, v14;
	v19 =	vsel vm12, $0x2900, v19;
	v20 =	vsel vm12, $0xA900, v20  }
0x18: {  	v21 =	vsel vm12, $0x2D00, v21;
	v26 =	vsel vm12, $0xB100, v26;
	v31 =	vsel vm12, $0x3500, v31  }
0x19: {  	v32 =	vsel vm12, $0xB500, v32;
	v33 =	vsel vm12, $0x3900, v33;
	v37 =	vsel vm13, $0x3C80, v37  }
0x1a: {  	v38 =	vsel vm12, $0xBD00, v38;
	v0 =	vsel vm11, $0x180, v0;
	v1 =	vsel vm11, $0x8180, v1  }
0x1b: {  	v2 =	vsel vm11, $0x2180, v2;
	v14 =	vsel vm11, $0xA580, v14;
	v19 =	vsel vm11, $0x2980, v19  }
0x1c: {  	v20 =	vsel vm11, $0xA980, v20;
	v21 =	vsel vm11, $0x2D80, v21;
	v26 =	vsel vm11, $0xB180, v26  }
0x1d: {  	v31 =	vsel vm11, $0x3580, v31;
	v32 =	vsel vm11, $0xB580, v32;
	v33 =	vsel vm11, $0x3980, v33  }
0x1e: {  	v37 =	vsel vm12, $0x3D00, v37;
	v38 =	vsel vm11, $0xBD80, v38;
	v0 =	vsel vm10, $0x200, v0  }
0x1f: {  	v1 =	vsel vm10, $0x8200, v1;
	v2 =	vsel vm10, $0x2200, v2;
	v14 =	vsel vm10, $0xA600, v14  }
0x20: {  	v19 =	vsel vm10, $0x2A00, v19;
	v20 =	vsel vm10, $0xAA00, v20;
	v21 =	vsel vm10, $0x2E00, v21  }
0x21: {  	v26 =	vsel vm10, $0xB200, v26;
	v31 =	vsel vm10, $0x3600, v31;
	v32 =	vsel vm10, $0xB600, v32  }
0x22: {  	v33 =	vsel vm10, $0x3A00, v33;
	v37 =	vsel vm11, $0x3D80, v37;
	v38 =	vsel vm10, $0xBE00, v38  }
0x23: {  	v0 =	vsel vm9, $0x280, v0;
	v1 =	vsel vm9, $0x8280, v1;
	v2 =	vsel vm9, $0x2280, v2  }
0x24: {  	v14 =	vsel vm9, $0xA680, v14;
	v19 =	vsel vm9, $0x2A80, v19;
	v20 =	vsel vm9, $0xAA80, v20  }
0x25: {  	v21 =	vsel vm9, $0x2E80, v21;
	v26 =	vsel vm9, $0xB280, v26;
	v31 =	vsel vm9, $0x3680, v31  }
0x26: {  	v32 =	vsel vm9, $0xB680, v32;
	v33 =	vsel vm9, $0x3A80, v33;
	v37 =	vsel vm10, $0x3E00, v37  }
0x27: {  	v38 =	vsel vm9, $0xBE80, v38;
	v0 =	vsel vm8, $0x300, v0;
	v1 =	vsel vm8, $0x8300, v1  }
0x28: {  	v2 =	vsel vm8, $0x2300, v2;
	v14 =	vsel vm8, $0xA700, v14;
	v19 =	vsel vm8, $0x2B00, v19  }
0x29: {  	v20 =	vsel vm8, $0xAB00, v20;
	v21 =	vsel vm8, $0x2F00, v21;
	v26 =	vsel vm8, $0xB300, v26  }
0x2a: {  	v31 =	vsel vm8, $0x3700, v31;
	v32 =	vsel vm8, $0xB700, v32;
	v33 =	vsel vm8, $0x3B00, v33  }
0x2b: {  	v37 =	vsel vm9, $0x3E80, v37;
	v38 =	vsel vm8, $0xBF00, v38;
	v0 =	vsel vm7, $0x380, v0  }
0x2c: {  	v1 =	vsel vm7, $0x8380, v1;
	v2 =	vsel vm7, $0x2380, v2;
	v14 =	vsel vm7, $0xA780, v14  }
0x2d: {  	v19 =	vsel vm7, $0x2B80, v19;
	v20 =	vsel vm7, $0xAB80, v20;
	v21 =	vsel vm7, $0x2F80, v21  }
0x2e: {  	v26 =	vsel vm7, $0xB380, v26;
	v31 =	vsel vm7, $0x3780, v31;
	v32 =	vsel vm7, $0xB780, v32  }
0x2f: {  	v33 =	vsel vm7, $0x3B80, v33;
	v37 =	vsel vm8, $0x3F00, v37;
	v38 =	vsel vm7, $0xBF80, v38  }
0x30: {  	v0 =	vsel vm6, $0x4000, v0;
	v1 =	vsel vm6, $0xC000, v1;
	v4 =	vsel vm6, $0x6000, v2  }
0x31: {  	v2 =	vsel vm14, $0x7, v3;
	v3 =	vlaneseq.u32;
	v14 =	vsel vm6, $0xE400, v14  }
0x32: {  	v19 =	vsel vm6, $0x6800, v19;
	v20 =	vsel vm6, $0xE800, v20;
	v21 =	vsel vm6, $0x6C00, v21  }
0x33: {  	v26 =	vsel vm6, $0xF000, v26;
	v31 =	vsel vm6, $0x7400, v31;
	v32 =	vsel vm6, $0xF400, v32  }
0x34: {  	v33 =	vsel vm6, $0x7800, v33;
	v37 =	vsel vm7, $0x3F80, v37;
	v38 =	vsel vm6, $0xFC00, v38  }
0x35: {  	v0 =	vsel vm5, $0x4080, v0;
	v1 =	vsel vm5, $0xC080, v1;
	v6 =	vsel vm5, $0x6080, v4  }
0x36: {  	v4 =	vor.u32 $0x10, v3;
	v5 =	vor.u32 $0x20, v3;
	v7 =	vor.u32 $0x40, v3  }
0x37: {  	v14 =	vsel vm5, $0xE480, v14;
	v17 =	vor.u32 $0x3F20, v3;
	v18 =	vor.u32 $0x3F30, v3  }
0x38: {  	v19 =	vsel vm5, $0x6880, v19;
	v20 =	vsel vm5, $0xE880, v20;
	v21 =	vsel vm5, $0x6C80, v21  }
0x39: {  	v26 =	vsel vm5, $0xF080, v26;
	v29 =	vor.u32 $0x3F80, v3;
	v30 =	vor.u32 $0x3F90, v3  }
0x3a: {  	v31 =	vsel vm5, $0x7480, v31;
	v32 =	vsel vm5, $0xF480, v32;
	v33 =	vsel vm5, $0x7880, v33  }
0x3b: {  	v37 =	vsel vm6, $0x7C00, v37;
	v38 =	vsel vm5, $0xFC80, v38;
	v41 =	vor.u32 $0x3FE0, v3  }
0x3c: {  	v0 =	vsel vm3, $0x4100, v0;
	v1 =	vsel vm3, $0xC100, v1;
	v8 =	vsel vm3, $0x6100, v6  }
0x3d: {  	v6 =	vor.u32 $0x30, v3;
	v14 =	vsel vm3, $0xE500, v14;
	v19 =	vsel vm3, $0x6900, v19  }
0x3e: {  	v20 =	vsel vm3, $0xE900, v20;
	v21 =	vsel vm3, $0x6D00, v21;
	v26 =	vsel vm3, $0xF100, v26  }
0x3f: {  	v31 =	vsel vm3, $0x7500, v31;
	v32 =	vsel vm3, $0xF500, v32;
	v33 =	vsel vm3, $0x7900, v33  }
0x40: {  	v37 =	vsel vm5, $0x7C80, v37;
	v38 =	vsel vm3, $0xFD00, v38;
	v0 =	vsel vm0, $0x4180, v0  }
0x41: {  	v1 =	vsel vm0, $0xC180, v1;
	v9 =	vsel vm0, $0x6180, v8;
	v8 =	vor.u32 $0x50, v3  }
0x42: {  	v14 =	vsel vm0, $0xE580, v14;
	v19 =	vsel vm0, $0x6980, v19;
	v20 =	vsel vm0, $0xE980, v20  }
0x43: {  	v21 =	vsel vm0, $0x6D80, v21;
	v26 =	vsel vm0, $0xF180, v26;
	v31 =	vsel vm0, $0x7580, v31  }
0x44: {  	v32 =	vsel vm0, $0xF580, v32;
	v33 =	vsel vm0, $0x7980, v33;
	v37 =	vsel vm3, $0x7D00, v37  }
0x45: {  	v38 =	vsel vm0, $0xFD80, v38;
	v0 =	vsel vm1, $0x4200, v0;
	v1 =	vsel vm1, $0xC200, v1  }
0x46: {  	v10 =	vsel vm1, $0x6200, v9;
	v9 =	vor.u32 $0x60, v3;
	v16 =	vsel vm1, $0xE600, v14  }
0x47: {  	v14 =	vor.u32 $0x3F10, v3;
	v19 =	vsel vm1, $0x6A00, v19;
	v20 =	vsel vm1, $0xEA00, v20  }
0x48: {  	v22 =	vsel vm1, $0x6E00, v21;
	v21 =	vor.u32 $0x3F40, v3;
	v28 =	vsel vm1, $0xF200, v26  }
0x49: {  	v26 =	vor.u32 $0x3F70, v3;
	v31 =	vsel vm1, $0x7600, v31;
	v32 =	vsel vm1, $0xF600, v32  }
0x4a: {  	v34 =	vsel vm1, $0x7A00, v33;
	v33 =	vor.u32 $0x3FA0, v3;
	v39 =	vsel vm0, $0x7D80, v37  }
0x4b: {  	v37 =	vor.u32 $0x3FC0, v3;
	v40 =	vsel vm1, $0xFE00, v38;
	v38 =	vor.u32 $0x3FD0, v3  }
0x4c: {  	v0 =	vsel vm2, $0x4280, v0;
	v1 =	vsel vm2, $0xC280, v1;
	v12 =	vsel vm2, $0x6280, v10  }
0x4d: {  	v10 =	vor.u32 $0x70, v3;
	v16 =	vsel vm2, $0xE680, v16;
	v19 =	vsel vm2, $0x6A80, v19  }
0x4e: {  	v20 =	vsel vm2, $0xEA80, v20;
	v24 =	vsel vm2, $0x6E80, v22;
	v22 =	vor.u32 $0x3F50, v3  }
0x4f: {  	v28 =	vsel vm2, $0xF280, v28;
	v31 =	vsel vm2, $0x7680, v31;
	v32 =	vsel vm2, $0xF680, v32  }
0x50: {  	v36 =	vsel vm2, $0x7A80, v34;
	v34 =	vor.u32 $0x3FB0, v3;
	v39 =	vsel vm1, $0x7E00, v39  }
0x51: {  	v40 =	vsel vm2, $0xFE80, v40;
	v0 =	vsel vm4, $0x4300, v0;
	v1 =	vsel vm4, $0xC300, v1  }
0x52: {  	v11 =	vsel vm4, $0x6300, v12;
	v12 =	vsel vm13, $0xA080, v13;
	v13 =	vimm.s32 $0x6780  }
0x53: {  	v16 =	vsel vm4, $0xE700, v16;
	v19 =	vsel vm4, $0x6B00, v19;
	v20 =	vsel vm4, $0xEB00, v20  }
0x54: {  	v23 =	vsel vm4, $0x6F00, v24;
	v24 =	vsel vm13, $0xAC80, v25;
	v25 =	vimm.s32 $0x7380  }
0x55: {  	v28 =	vsel vm4, $0xF300, v28;
	v31 =	vsel vm4, $0x7700, v31;
	v32 =	vsel vm4, $0xF700, v32  }
0x56: {  	v35 =	vsel vm4, $0x7B00, v36;
	v36 =	vsel vm12, $0xB900, v62;
	v39 =	vsel vm2, $0x7E80, v39  }
0x57: {  	v40 =	vsel vm4, $0xFF00, v40;
	v12 =	vsel vm12, $0xA100, v12;
	v13 =	vsel vm14, $0x2400, v13  }
0x58: {  	v24 =	vsel vm12, $0xAD00, v24;
	v25 =	vsel vm14, $0x3000, v25;
	v36 =	vsel vm11, $0xB980, v36  }
0x59: {  	v39 =	vsel vm4, $0x7F00, v39;
	v12 =	vsel vm11, $0xA180, v12;
	v13 =	vsel vm13, $0x2480, v13  }
0x5a: {  	v24 =	vsel vm11, $0xAD80, v24;
	v25 =	vsel vm13, $0x3080, v25;
	v36 =	vsel vm10, $0xBA00, v36  }
0x5b: {  	v12 =	vsel vm10, $0xA200, v12;
	v13 =	vsel vm12, $0x2500, v13;
	v24 =	vsel vm10, $0xAE00, v24  }
0x5c: {  	v25 =	vsel vm12, $0x3100, v25;
	v36 =	vsel vm9, $0xBA80, v36;
	v12 =	vsel vm9, $0xA280, v12  }
0x5d: {  	v13 =	vsel vm11, $0x2580, v13;
	v24 =	vsel vm9, $0xAE80, v24;
	v25 =	vsel vm11, $0x3180, v25  }
0x5e: {  	v36 =	vsel vm8, $0xBB00, v36;
	v12 =	vsel vm8, $0xA300, v12;
	v13 =	vsel vm10, $0x2600, v13  }
0x5f: {  	s0 =	rddreg [dreg:$0x0];
	v24 =	vsel vm8, $0xAF00, v24;
	v25 =	vsel vm10, $0x3200, v25;
	v36 =	vsel vm7, $0xBB80, v36  }
0x60: {  	s1 =	rddreg [dreg:$0x1];
	v12 =	vsel vm7, $0xA380, v12;
	v13 =	vsel vm9, $0x2680, v13;
	v24 =	vsel vm7, $0xAF80, v24  }
0x61: {  	s2 =	rddreg [dreg:$0x2];
	s3 =	simm.s32 $0x0;
	s4 =	srdreg.scid;
	v25 =	vsel vm9, $0x3280, v25;
	v36 =	vsel vm6, $0xF800, v36;
	v12 =	vsel vm6, $0xE000, v12  }
0x62: {  	s5 =	stileid.u32;
	s8 =	simm.s32 $0x280;
	s11 =	simm.s32 $0xDE80;
	v13 =	vsel vm8, $0x2700, v13;
	v24 =	vsel vm6, $0xEC00, v24;
	v25 =	vsel vm8, $0x3300, v25  }
0x63: {  	s12 =	simm.s32 $0x10280;
	s13 =	simm.s32 $0x2;
	s18 =	simm.s32 $0x7280;
	v36 =	vsel vm5, $0xF880, v36;
	v12 =	vsel vm5, $0xE080, v12;
	v13 =	vsel vm7, $0x2780, v13  }
0x64: {  	s19 =	simm.s32 $0xB280;
	s28 =	simm.s32 $0xF280;
	s29 =	simm.s32 $0x3680;
	v24 =	vsel vm5, $0xEC80, v24;
	v25 =	vsel vm7, $0x3380, v25;
	v36 =	vsel vm3, $0xF900, v36  }
0x65: {  	s30 =	simm.s32 $0x7680;
	s20 =	simm.s32 $0xB680;
	s21 =	simm.s32 $0xF680;
	v12 =	vsel vm3, $0xE100, v12;
	v13 =	vsel vm6, $0x6400, v13;
	v24 =	vsel vm3, $0xED00, v24  }
0x66: {  	s22 =	simm.s32 $0x3A80;
	s31 =	simm.s32 $0x7A80;
	s23 =	simm.s32 $0x3E80;
	v25 =	vsel vm6, $0x7000, v25;
	v36 =	vsel vm0, $0xF980, v36;
	v12 =	vsel vm0, $0xE180, v12  }
0x67: {  	s14 =	simm.s32 $0x7E80;
	s4 =	sand.u32 $0x1, s4;
	s5 =	sshll.u32 s5, $0x1;
	v13 =	vsel vm5, $0x6480, v13;
	v24 =	vsel vm0, $0xED80, v24;
	v25 =	vsel vm5, $0x7080, v25  }
0x68: {  	[smem:$0x7FF] =	sst s3;
	s6 =	ssub.s32 $0x2, s4;
	s4 =	sor.u32 s4, s5;
	v36 =	vsel vm1, $0xFA00, v36;
	v12 =	vsel vm1, $0xE200, v12;
	v13 =	vsel vm3, $0x6500, v13  }
0x69: {  	_ =	strace $0x80000047;
	s24 =	sshrl.u32 s6, $0x1;
	s7 =	sshll.u32 s4, $0x6;
	v24 =	vsel vm1, $0xEE00, v24;
	v25 =	vsel vm3, $0x7100, v25;
	v36 =	vsel vm2, $0xFA80, v36  }
.Ltmp0:
0x6a: {  	s4 =	sshll.u32 s4, $0xB;
	s5 =	ssub.s32 s6, s24;
	v12 =	vsel vm2, $0xE280, v12;
	v15 =	vsel vm0, $0x6580, v13;
	v13 =	vor.u32 $0x3F00, v3;
	(pc) =	sbr.rel .LBB2_1-.Ltmp0, $4  }
0x6b: {  	s1 =	sadd.s32 s1, s7;
	s25 =	sadd.s32 s2, s4;
	s6 =	simm.s32 $0x3;
	v24 =	vsel vm2, $0xEE80, v24;
	v27 =	vsel vm0, $0x7180, v25;
	v25 =	vor.u32 $0x3F60, v3  }
0x6c: {  	s2 =	simm.s32 $0xFA80;
	s24 =	simm.s32 $0xBE80;
	[dreg:$0x4] =	wrdreg s1;
	v36 =	vsel vm4, $0xFB00, v36;
	v15 =	vsel vm1, $0x6600, v15;
	v27 =	vsel vm1, $0x7200, v27  }
0x6d: {  	s4 =	simm.s32 $0xFE80;
	[dreg:$0x5] =	wrdreg s25;
	s26 =	smax.u32 s5, $0x1;
	v12 =	vsel vm4, $0xE300, v12;
	v15 =	vsel vm2, $0x6680, v15;
	v27 =	vsel vm2, $0x7280, v27  }
0x6e: {  	s7 =	simm.s32 $0x0;
	s1 =	simm.s32 $0xBA80;
	[dreg:$0x6] =	wrdreg s26;
	v24 =	vsel vm4, $0xEF00, v24;
	v15 =	vsel vm4, $0x6700, v15;
	v27 =	vsel vm4, $0x7300, v27  }
.LBB2_6:
0x6f: {  	_ =	swait.ge [sflag:s13], $0x1000  }
0x70: {  	[sflag:s13] =	ssyncset.done $0x0  }
0x71: {  	[sflag:s13] =	ssyncadd.s32 $0xFFFFF000  }
0x72: {  	_ =	swait.ge [sflag:s13], $0x1000  }
0x73: {  	[sflag:s13] =	ssyncset.done $0x0  }
0x74: {  	[sflag:s13] =	ssyncadd.s32 $0xFFFFF000  }
0x75: {  	_ =	swait.ge [sflag:s13], $0x1000  }
0x76: {  	[sflag:s13] =	ssyncset.done $0x0  }
0x77: {  	[sflag:s13] =	ssyncadd.s32 $0xFFFFF000  }
0x78: {  	_ =	swait.ge [sflag:s13], $0x1000  }
0x79: {  	[sflag:s13] =	ssyncset.done $0x0  }
0x7a: {  	[sflag:s13] =	ssyncadd.s32 $0xFFFFF000  }
0x7b: {  	_ =	swait.ge [sflag:s13], $0x1000  }
0x7c: {  	[sflag:s13] =	ssyncset.done $0x0  }
0x7d: {  	[sflag:s13] =	ssyncadd.s32 $0xFFFFF000  }
0x7e: {  	_ =	swait.ge [sflag:s13], $0x1000  }
0x7f: {  	[sflag:s13] =	ssyncset.done $0x0  }
0x80: {  	[sflag:s13] =	ssyncadd.s32 $0xFFFFF000  }
0x81: {  	_ =	swait.ge [sflag:s13], $0x1000  }
0x82: {  	[sflag:s13] =	ssyncset.done $0x0  }
0x83: {  	[sflag:s13] =	ssyncadd.s32 $0xFFFFF000  }
0x84: {  	_ =	swait.ge [sflag:s13], $0x1000  }
0x85: {  	[sflag:s13] =	ssyncset.done $0x0  }
0x86: {  	[sflag:s13] =	ssyncadd.s32 $0xFFFFF000  }
0x87: {  	v42 =	vld [tilespmem:$0x1F8];
	_ =	sdelay $0x4  }
0x88: {  	v43 =	vand.u32 $0x7F, v42  }
0x89: {  	v44 =	vbroadcast v43, $0x0;
	_ =	sdelay $0x1  }
0x8a: {  	v45 =	vor.u32 v11, v44  }
0x8b: {  	v44 =	vor.u32 v12, v44;
	_ =	sdelay $0x3  }
0x8c: {  	v46 =	vbroadcast v43, $0x1;
	v45 =	vld.idx.msk [tilespmem:v45+s8+$0x0], $0xffff  }
0x8d: {  	v44 =	vld.idx.msk [tilespmem:v44+s8+$0x0], $0xffff  }
0x8e: {  	v47 =	vor.u32 v15, v46  }
0x8f: {  	v46 =	vor.u32 v16, v46;
	_ =	sdelay $0x1  }
0x90: {  	[tilespmem:v13+s12+$0x0] =	vst.idx.msk $0xffff, v45  }
0x91: {  	[tilespmem:v14+s12+$0x0] =	vst.idx.msk $0xffff, v44  }
0x92: {  	v51 =	vbroadcast v43, $0x2;
	v44 =	vld.idx.msk [tilespmem:v47+s8+$0x0], $0xffff  }
0x93: {  	v46 =	vld.idx.msk [tilespmem:v46+s8+$0x0], $0xffff  }
0x94: {  	v52 =	vor.u32 v19, v51  }
0x95: {  	v45 =	vor.u32 v20, v51;
	_ =	sdelay $0x1  }
0x96: {  	[tilespmem:v17+s12+$0x0] =	vst.idx.msk $0xffff, v44  }
0x97: {  	[tilespmem:v18+s12+$0x0] =	vst.idx.msk $0xffff, v46  }
0x98: {  	v53 =	vbroadcast v43, $0x3;
	v44 =	vld.idx.msk [tilespmem:v52+s8+$0x0], $0xffff  }
0x99: {  	v45 =	vld.idx.msk [tilespmem:v45+s8+$0x0], $0xffff  }
0x9a: {  	v54 =	vor.u32 v23, v53  }
0x9b: {  	v46 =	vor.u32 v24, v53;
	_ =	sdelay $0x1  }
0x9c: {  	[tilespmem:v21+s12+$0x0] =	vst.idx.msk $0xffff, v44  }
0x9d: {  	[tilespmem:v22+s12+$0x0] =	vst.idx.msk $0xffff, v45  }
0x9e: {  	v55 =	vbroadcast v43, $0x4;
	v44 =	vld.idx.msk [tilespmem:v54+s8+$0x0], $0xffff  }
0x9f: {  	v46 =	vld.idx.msk [tilespmem:v46+s8+$0x0], $0xffff  }
0xa0: {  	v56 =	vor.u32 v27, v55  }
0xa1: {  	v45 =	vor.u32 v28, v55;
	_ =	sdelay $0x1  }
0xa2: {  	[tilespmem:v25+s12+$0x0] =	vst.idx.msk $0xffff, v44  }
0xa3: {  	(v2sf) =	vpush v42, $0x7;
	[tilespmem:v26+s12+$0x0] =	vst.idx.msk $0xffff, v46  }
0xa4: {  	v58 =	vbroadcast v43, $0x5;
	v57 =	vld.idx.msk [tilespmem:v56+s8+$0x0], $0xffff  }
0xa5: {  	v45 =	vld.idx.msk [tilespmem:v45+s8+$0x0], $0xffff  }
0xa6: {  	v59 =	vor.u32 v31, v58  }
0xa7: {  	v44 =	vor.u32 v32, v58;
	_ =	sdelay $0x1  }
0xa8: {  	[tilespmem:v29+s12+$0x0] =	vst.idx.msk $0xffff, v57  }
0xa9: {  	[tilespmem:v30+s12+$0x0] =	vst.idx.msk $0xffff, v45  }
0xaa: {  	v43 =	vbroadcast v43, $0x6;
	v42 =	vld.idx.msk [tilespmem:v59+s8+$0x0], $0xffff  }
0xab: {  	v44 =	vld.idx.msk [tilespmem:v44+s8+$0x0], $0xffff  }
0xac: {  	v60 =	vor.u32 v35, v43  }
0xad: {  	v43 =	vor.u32 v36, v43;
	_ =	sdelay $0x1  }
0xae: {  	[tilespmem:v33+s12+$0x0] =	vst.idx.msk $0xffff, v42  }
0xaf: {  	[tilespmem:v34+s12+$0x0] =	vst.idx.msk $0xffff, v44  }
0xb0: {  	s5 =	spop (v2sf);
	v42 =	vld.idx.msk [tilespmem:v60+s8+$0x0], $0xffff  }
0xb1: {  	s5 =	sand.u32 $0x7F, s5;
	v43 =	vld.idx.msk [tilespmem:v43+s8+$0x0], $0xffff  }
0xb2: {  	v61 =	vor.u32 s5, v39  }
0xb3: {  	v62 =	vor.u32 s5, v40;
	_ =	sdelay $0x1  }
0xb4: {  	[tilespmem:v37+s12+$0x0] =	vst.idx.msk $0xffff, v42  }
0xb5: {  	[tilespmem:v38+s12+$0x0] =	vst.idx.msk $0xffff, v43  }
0xb6: {  	v42 =	vld.idx.msk [tilespmem:v61+s8+$0x0], $0xffff  }
0xb7: {  	v63 =	vor.u32 $0x3FF0, v3;
	v43 =	vld.idx.msk [tilespmem:v62+s8+$0x0], $0xffff;
	_ =	sdelay $0x3  }
0xb8: {  	[tilespmem:v41+s12+$0x0] =	vst.idx.msk $0xffff, v42  }
0xb9: {  	s6 =	simm.s32 $0x3;
	s25 =	rddreg [dreg:$0x5];
	[tilespmem:v63+s12+$0x0] =	vst.idx.msk $0xffff, v43  }
0xba: {  	[hbm4b:s25+s3] =	stream.linear.scatter [tilespmem:s12], [sflag:$0x3], $0x4000, $0x38;
	[tilespmem:$0x14280] =	vst v63  }
0xbb: {  	_ =	swait.ge [sflag:s6], $0x4000  }
0xbc: {  	s7 =	rddreg [dreg:$0x7]  }
0xbd: {  	s26 =	rddreg [dreg:$0x6];
	s7 =	sadd.s32 $0x1, s7  }
0xbe: {  	p0 =	sne.s32 s7, s26  }
.Ltmp1:
0xbf: {  	_ = 	snop;
	(pc) =	sbr.rel @!p0 .LBB2_7-.Ltmp1, $3  }
0xc0: {  	_ =	sdelay $0x1  }
0xc1: {  	[sflag:s6] =	ssyncset.done $0x0  }
0xc2: {  	[sflag:s6] =	ssyncadd.s32 $0xFFFFC000  }
.LBB2_1:
0xc3: {  	[dreg:$0x7] =	wrdreg s7  }
0xc4: {  	s5 =	rddreg [dreg:$0x4]  }
0xc5: {  	[tilespmem:s3], [sflag:$0x3] =	stream.linear.gather [hbm4b:s5+s3], $0x200, $0x38;
	[tilespmem:$0x14280] =	vst v63  }
0xc6: {  	_ =	swait.ge [sflag:s6], $0x200  }
0xc7: {  	[sflag:s6] =	ssyncset.done $0x0  }
0xc8: {  	[sflag:s6] =	ssyncadd.s32 $0xFFFFFE00  }
0xc9: {  	v42 =	vld [tilespmem:$0x0];
	_ =	sdelay $0x4  }
0xca: {  	v42 =	vand.u32 $0xFFFFFF80, v42  }
0xcb: {  	v42 =	vadd.s32 s0, v42  }
0xcc: {  	(v2sf) =	vpush v42, $0x0;
	_ =	sdelay $0x7  }
0xcd: {  	(v2sf) =	vpush v42, $0x1;
	_ =	sdelay $0x6  }
0xce: {  	s15 =	spop (v2sf)  }
0xcf: {  	(v2sf) =	vpush v42, $0x2;
	[tilespmem:s8], [sflag:$0x1] =	stream.linear.gather [hbm4b:s15+s3], $0x400, $0x38;
	[tilespmem:$0x14280] =	vst v63  }
0xd0: {  	s17 =	simm.s32 $0x4280;
	s16 =	sadd.s32 $0xF4280, s15  }
0xd1: {  	[tilespmem:s17], [sflag:$0x1] =	stream.linear.gather [hbm4b:s16+s3], $0x400, $0x38;
	[tilespmem:$0x14280] =	vst v63  }
0xd2: {  	s26 =	simm.s32 $0x8280;
	s25 =	sadd.s32 $0x1E8500, s15  }
0xd3: {  	[tilespmem:s26], [sflag:$0x1] =	stream.linear.gather [hbm4b:s25+s3], $0x400, $0x38;
	[tilespmem:$0x14280] =	vst v63  }
0xd4: {  	s9 =	simm.s32 $0xC280;
	s5 =	sadd.s32 $0x2DC780, s15  }
0xd5: {  	[tilespmem:s9], [sflag:$0x1] =	stream.linear.gather [hbm4b:s5+s3], $0x400, $0x38;
	[tilespmem:$0x14280] =	vst v63  }
0xd6: {  	s10 =	spop (v2sf);
	s15 =	simm.s32 $0x680  }
0xd7: {  	(v2sf) =	vpush v42, $0x3;
	[tilespmem:s15], [sflag:$0x1] =	stream.linear.gather [hbm4b:s10+s3], $0x400, $0x38;
	[tilespmem:$0x14280] =	vst v63  }
0xd8: {  	s16 =	sadd.s32 $0xF4280, s10;
	s17 =	simm.s32 $0x4680  }
0xd9: {  	[tilespmem:s17], [sflag:$0x1] =	stream.linear.gather [hbm4b:s16+s3], $0x400, $0x38;
	[tilespmem:$0x14280] =	vst v63  }
0xda: {  	s25 =	sadd.s32 $0x1E8500, s10;
	s26 =	simm.s32 $0x8680  }
0xdb: {  	[tilespmem:s26], [sflag:$0x1] =	stream.linear.gather [hbm4b:s25+s3], $0x400, $0x38;
	[tilespmem:$0x14280] =	vst v63  }
0xdc: {  	s5 =	sadd.s32 $0x2DC780, s10;
	s9 =	simm.s32 $0xC680  }
0xdd: {  	[tilespmem:s9], [sflag:$0x1] =	stream.linear.gather [hbm4b:s5+s3], $0x400, $0x38;
	[tilespmem:$0x14280] =	vst v63  }
0xde: {  	s15 =	simm.s32 $0xA80;
	s10 =	spop (v2sf)  }
0xdf: {  	(v2sf) =	vpush v42, $0x4;
	[tilespmem:s15], [sflag:$0x1] =	stream.linear.gather [hbm4b:s10+s3], $0x400, $0x38;
	[tilespmem:$0x14280] =	vst v63  }
0xe0: {  	s17 =	simm.s32 $0x4A80;
	s16 =	sadd.s32 $0xF4280, s10  }
0xe1: {  	[tilespmem:s17], [sflag:$0x1] =	stream.linear.gather [hbm4b:s16+s3], $0x400, $0x38;
	[tilespmem:$0x14280] =	vst v63  }
0xe2: {  	s26 =	simm.s32 $0x8A80;
	s25 =	sadd.s32 $0x1E8500, s10  }
0xe3: {  	[tilespmem:s26], [sflag:$0x1] =	stream.linear.gather [hbm4b:s25+s3], $0x400, $0x38;
	[tilespmem:$0x14280] =	vst v63  }
0xe4: {  	s9 =	simm.s32 $0xCA80;
	s5 =	sadd.s32 $0x2DC780, s10  }
0xe5: {  	[tilespmem:s9], [sflag:$0x1] =	stream.linear.gather [hbm4b:s5+s3], $0x400, $0x38;
	[tilespmem:$0x14280] =	vst v63  }
0xe6: {  	s10 =	spop (v2sf);
	s15 =	simm.s32 $0xE80  }
0xe7: {  	(v2sf) =	vpush v42, $0x5;
	[tilespmem:s15], [sflag:$0x1] =	stream.linear.gather [hbm4b:s10+s3], $0x400, $0x38;
	[tilespmem:$0x14280] =	vst v63  }
0xe8: {  	s16 =	sadd.s32 $0xF4280, s10;
	s17 =	simm.s32 $0x4E80  }
0xe9: {  	[tilespmem:s17], [sflag:$0x1] =	stream.linear.gather [hbm4b:s16+s3], $0x400, $0x38;
	[tilespmem:$0x14280] =	vst v63  }
0xea: {  	s25 =	sadd.s32 $0x1E8500, s10;
	s26 =	simm.s32 $0x8E80  }
0xeb: {  	[tilespmem:s26], [sflag:$0x1] =	stream.linear.gather [hbm4b:s25+s3], $0x400, $0x38;
	[tilespmem:$0x14280] =	vst v63  }
0xec: {  	s5 =	sadd.s32 $0x2DC780, s10;
	s9 =	simm.s32 $0xCE80  }
0xed: {  	[tilespmem:s9], [sflag:$0x1] =	stream.linear.gather [hbm4b:s5+s3], $0x400, $0x38;
	[tilespmem:$0x14280] =	vst v63  }
0xee: {  	s15 =	simm.s32 $0x1280;
	s10 =	spop (v2sf)  }
0xef: {  	(v2sf) =	vpush v42, $0x6;
	[tilespmem:s15], [sflag:$0x1] =	stream.linear.gather [hbm4b:s10+s3], $0x400, $0x38;
	[tilespmem:$0x14280] =	vst v63  }
0xf0: {  	s17 =	simm.s32 $0x5280;
	s16 =	sadd.s32 $0xF4280, s10  }
0xf1: {  	[tilespmem:s17], [sflag:$0x1] =	stream.linear.gather [hbm4b:s16+s3], $0x400, $0x38;
	[tilespmem:$0x14280] =	vst v63  }
0xf2: {  	s26 =	simm.s32 $0x9280;
	s25 =	sadd.s32 $0x1E8500, s10  }
0xf3: {  	[tilespmem:s26], [sflag:$0x1] =	stream.linear.gather [hbm4b:s25+s3], $0x400, $0x38;
	[tilespmem:$0x14280] =	vst v63  }
0xf4: {  	s5 =	sadd.s32 $0x2DC780, s10;
	s9 =	simm.s32 $0xD280  }
0xf5: {  	[tilespmem:s9], [sflag:$0x1] =	stream.linear.gather [hbm4b:s5+s3], $0x400, $0x38;
	[tilespmem:$0x14280] =	vst v63  }
0xf6: {  	s10 =	spop (v2sf);
	s15 =	simm.s32 $0x1680  }
0xf7: {  	(v2sf) =	vpush v42, $0x7;
	[tilespmem:s15], [sflag:$0x1] =	stream.linear.gather [hbm4b:s10+s3], $0x400, $0x38;
	[tilespmem:$0x14280] =	vst v63  }
0xf8: {  	s16 =	sadd.s32 $0xF4280, s10;
	s17 =	simm.s32 $0x5680  }
0xf9: {  	[tilespmem:s17], [sflag:$0x1] =	stream.linear.gather [hbm4b:s16+s3], $0x400, $0x38;
	[tilespmem:$0x14280] =	vst v63  }
0xfa: {  	s25 =	sadd.s32 $0x1E8500, s10;
	s26 =	simm.s32 $0x9680  }
0xfb: {  	[tilespmem:s26], [sflag:$0x1] =	stream.linear.gather [hbm4b:s25+s3], $0x400, $0x38;
	[tilespmem:$0x14280] =	vst v63  }
0xfc: {  	s5 =	sadd.s32 $0x2DC780, s10;
	s9 =	simm.s32 $0xD680  }
0xfd: {  	[tilespmem:s9], [sflag:$0x1] =	stream.linear.gather [hbm4b:s5+s3], $0x400, $0x38;
	[tilespmem:$0x14280] =	vst v63  }
0xfe: {  	s15 =	simm.s32 $0x1A80;
	s10 =	spop (v2sf)  }
0xff: {  	[tilespmem:s15], [sflag:$0x1] =	stream.linear.gather [hbm4b:s10+s3], $0x400, $0x38;
	[tilespmem:$0x14280] =	vst v63  }
0x100: {  	s17 =	simm.s32 $0x5A80;
	s16 =	sadd.s32 $0xF4280, s10  }
0x101: {  	[tilespmem:s17], [sflag:$0x1] =	stream.linear.gather [hbm4b:s16+s3], $0x400, $0x38;
	[tilespmem:$0x14280] =	vst v63  }
0x102: {  	s26 =	simm.s32 $0x9A80;
	s25 =	sadd.s32 $0x1E8500, s10  }
0x103: {  	[tilespmem:s26], [sflag:$0x1] =	stream.linear.gather [hbm4b:s25+s3], $0x400, $0x38;
	[tilespmem:$0x14280] =	vst v63  }
0x104: {  	s5 =	sadd.s32 $0x2DC780, s10;
	s9 =	simm.s32 $0xDA80  }
0x105: {  	[tilespmem:s9], [sflag:$0x1] =	stream.linear.gather [hbm4b:s5+s3], $0x400, $0x38;
	[tilespmem:$0x14280] =	vst v63  }
0x106: {  	s10 =	spop (v2sf);
	s15 =	simm.s32 $0x1E80  }
0x107: {  	[tilespmem:s15], [sflag:$0x1] =	stream.linear.gather [hbm4b:s10+s3], $0x400, $0x38;
	[tilespmem:$0x14280] =	vst v63  }
0x108: {  	s16 =	sadd.s32 $0xF4280, s10;
	s17 =	simm.s32 $0x5E80  }
0x109: {  	[tilespmem:s17], [sflag:$0x1] =	stream.linear.gather [hbm4b:s16+s3], $0x400, $0x38;
	[tilespmem:$0x14280] =	vst v63  }
.Ltmp2:
0x10a: {  	s25 =	sadd.s32 $0x1E8500, s10;
	s26 =	simm.s32 $0x9E80;
	(pc) =	sbr.rel .LBB2_2-.Ltmp2, $4  }
0x10b: {  	[tilespmem:s26], [sflag:$0x1] =	stream.linear.gather [hbm4b:s25+s3], $0x400, $0x38;
	[tilespmem:$0x14280] =	vst v63  }
0x10c: {  	s6 =	simm.s32 $0x8;
	s5 =	sadd.s32 $0x2DC780, s10  }
0x10d: {  	[tilespmem:s11], [sflag:$0x1] =	stream.linear.gather [hbm4b:s5+s3], $0x400, $0x38;
	[tilespmem:$0x14280] =	vst v63  }
0x10e: {  	s15 =	simm.s32 $0x0;
	s25 =	simm.s32 $0x0;
	s5 =	simm.s32 $0xF0  }
.LBB2_4:
0x10f: {  	[tilespmem:s8], [sflag:$0x1] =	stream.linear.gather [hbm4b:s26+s3], $0x400, $0x38;
	(v2sf) =	vpush v42, $0x2;
	[tilespmem:$0x14280] =	vst v63  }
0x110: {  	s17 =	simm.s32 $0x4280  }
0x111: {  	[tilespmem:s17], [sflag:$0x1] =	stream.linear.gather [hbm4b:s10+s3], $0x400, $0x38;
	[tilespmem:$0x14280] =	vst v63  }
0x112: {  	s26 =	simm.s32 $0x8280  }
0x113: {  	[tilespmem:s26], [sflag:$0x1] =	stream.linear.gather [hbm4b:s9+s3], $0x400, $0x38;
	[tilespmem:$0x14280] =	vst v63  }
0x114: {  	s17 =	simm.s32 $0xC280  }
0x115: {  	[tilespmem:s17], [sflag:$0x1] =	stream.linear.gather [hbm4b:s16+s3], $0x400, $0x38;
	[tilespmem:$0x14280] =	vst v63  }
0x116: {  	s26 =	simm.s32 $0x680  }
0x117: {  	(v2sf) =	vpush v42, $0x3;
	[tilespmem:s26], [sflag:$0x1] =	stream.linear.gather [hbm4b:s7+s3], $0x400, $0x38;
	[tilespmem:$0x14280] =	vst v63  }
0x118: {  	s10 =	sadd.s32 $0xF4280, s7;
	s16 =	simm.s32 $0x4680  }
0x119: {  	[tilespmem:s16], [sflag:$0x1] =	stream.linear.gather [hbm4b:s10+s3], $0x400, $0x38;
	[tilespmem:$0x14280] =	vst v63  }
0x11a: {  	s17 =	sadd.s32 $0x1E8500, s7;
	s26 =	simm.s32 $0x8680  }
0x11b: {  	[tilespmem:s26], [sflag:$0x1] =	stream.linear.gather [hbm4b:s17+s3], $0x400, $0x38;
	[tilespmem:$0x14280] =	vst v63  }
0x11c: {  	s9 =	sadd.s32 $0x2DC780, s7;
	s10 =	simm.s32 $0xC680  }
0x11d: {  	[tilespmem:s10], [sflag:$0x1] =	stream.linear.gather [hbm4b:s9+s3], $0x400, $0x38;
	[tilespmem:$0x14280] =	vst v63  }
0x11e: {  	s16 =	simm.s32 $0xA80;
	s7 =	spop (v2sf)  }
0x11f: {  	(v2sf) =	vpush v42, $0x4;
	[tilespmem:s16], [sflag:$0x1] =	stream.linear.gather [hbm4b:s7+s3], $0x400, $0x38;
	[tilespmem:$0x14280] =	vst v63  }
0x120: {  	s26 =	simm.s32 $0x4A80;
	s17 =	sadd.s32 $0xF4280, s7  }
0x121: {  	[tilespmem:s26], [sflag:$0x1] =	stream.linear.gather [hbm4b:s17+s3], $0x400, $0x38;
	[tilespmem:$0x14280] =	vst v63  }
0x122: {  	s10 =	sadd.s32 $0x1E8500, s7;
	s16 =	simm.s32 $0x8A80  }
0x123: {  	[tilespmem:s16], [sflag:$0x1] =	stream.linear.gather [hbm4b:s10+s3], $0x400, $0x38;
	[tilespmem:$0x14280] =	vst v63  }
0x124: {  	s7 =	sadd.s32 $0x2DC780, s7;
	s17 =	simm.s32 $0xCA80  }
0x125: {  	[tilespmem:s17], [sflag:$0x1] =	stream.linear.gather [hbm4b:s7+s3], $0x400, $0x38;
	[tilespmem:$0x14280] =	vst v63  }
0x126: {  	s26 =	simm.s32 $0xE80;
	s7 =	spop (v2sf)  }
0x127: {  	(v2sf) =	vpush v42, $0x5;
	[tilespmem:s26], [sflag:$0x1] =	stream.linear.gather [hbm4b:s7+s3], $0x400, $0x38;
	[tilespmem:$0x14280] =	vst v63  }
0x128: {  	s16 =	simm.s32 $0x4E80;
	s10 =	sadd.s32 $0xF4280, s7  }
0x129: {  	[tilespmem:s16], [sflag:$0x1] =	stream.linear.gather [hbm4b:s10+s3], $0x400, $0x38;
	[tilespmem:$0x14280] =	vst v63  }
0x12a: {  	s17 =	sadd.s32 $0x1E8500, s7;
	s26 =	simm.s32 $0x8E80  }
0x12b: {  	[tilespmem:s26], [sflag:$0x1] =	stream.linear.gather [hbm4b:s17+s3], $0x400, $0x38;
	[tilespmem:$0x14280] =	vst v63  }
0x12c: {  	s7 =	sadd.s32 $0x2DC780, s7;
	s10 =	simm.s32 $0xCE80  }
0x12d: {  	[tilespmem:s10], [sflag:$0x1] =	stream.linear.gather [hbm4b:s7+s3], $0x400, $0x38;
	[tilespmem:$0x14280] =	vst v63  }
0x12e: {  	s16 =	simm.s32 $0x1280;
	s7 =	spop (v2sf)  }
0x12f: {  	(v2sf) =	vpush v42, $0x6;
	[tilespmem:s16], [sflag:$0x1] =	stream.linear.gather [hbm4b:s7+s3], $0x400, $0x38;
	[tilespmem:$0x14280] =	vst v63  }
0x130: {  	s26 =	simm.s32 $0x5280;
	s17 =	sadd.s32 $0xF4280, s7  }
0x131: {  	[tilespmem:s26], [sflag:$0x1] =	stream.linear.gather [hbm4b:s17+s3], $0x400, $0x38;
	[tilespmem:$0x14280] =	vst v63  }
0x132: {  	s10 =	sadd.s32 $0x1E8500, s7;
	s16 =	simm.s32 $0x9280  }
0x133: {  	[tilespmem:s16], [sflag:$0x1] =	stream.linear.gather [hbm4b:s10+s3], $0x400, $0x38;
	[tilespmem:$0x14280] =	vst v63  }
0x134: {  	s7 =	sadd.s32 $0x2DC780, s7;
	s17 =	simm.s32 $0xD280  }
0x135: {  	[tilespmem:s17], [sflag:$0x1] =	stream.linear.gather [hbm4b:s7+s3], $0x400, $0x38;
	[tilespmem:$0x14280] =	vst v63  }
0x136: {  	s26 =	simm.s32 $0x1680;
	s7 =	spop (v2sf)  }
0x137: {  	(v2sf) =	vpush v42, $0x7;
	[tilespmem:s26], [sflag:$0x1] =	stream.linear.gather [hbm4b:s7+s3], $0x400, $0x38;
	[tilespmem:$0x14280] =	vst v63  }
0x138: {  	s16 =	simm.s32 $0x5680;
	s10 =	sadd.s32 $0xF4280, s7  }
0x139: {  	[tilespmem:s16], [sflag:$0x1] =	stream.linear.gather [hbm4b:s10+s3], $0x400, $0x38;
	[tilespmem:$0x14280] =	vst v63  }
0x13a: {  	s17 =	sadd.s32 $0x1E8500, s7;
	s26 =	simm.s32 $0x9680  }
0x13b: {  	[tilespmem:s26], [sflag:$0x1] =	stream.linear.gather [hbm4b:s17+s3], $0x400, $0x38;
	[tilespmem:$0x14280] =	vst v63  }
0x13c: {  	s7 =	sadd.s32 $0x2DC780, s7;
	s10 =	simm.s32 $0xD680  }
0x13d: {  	[tilespmem:s10], [sflag:$0x1] =	stream.linear.gather [hbm4b:s7+s3], $0x400, $0x38;
	[tilespmem:$0x14280] =	vst v63  }
0x13e: {  	s16 =	simm.s32 $0x1A80;
	s7 =	spop (v2sf)  }
0x13f: {  	[tilespmem:s16], [sflag:$0x1] =	stream.linear.gather [hbm4b:s7+s3], $0x400, $0x38;
	[tilespmem:$0x14280] =	vst v63  }
0x140: {  	s26 =	simm.s32 $0x5A80;
	s17 =	sadd.s32 $0xF4280, s7  }
0x141: {  	[tilespmem:s26], [sflag:$0x1] =	stream.linear.gather [hbm4b:s17+s3], $0x400, $0x38;
	[tilespmem:$0x14280] =	vst v63  }
0x142: {  	s10 =	sadd.s32 $0x1E8500, s7;
	s16 =	simm.s32 $0x9A80  }
0x143: {  	[tilespmem:s16], [sflag:$0x1] =	stream.linear.gather [hbm4b:s10+s3], $0x400, $0x38;
	[tilespmem:$0x14280] =	vst v63  }
0x144: {  	s7 =	sadd.s32 $0x2DC780, s7;
	s17 =	simm.s32 $0xDA80  }
0x145: {  	[tilespmem:s17], [sflag:$0x1] =	stream.linear.gather [hbm4b:s7+s3], $0x400, $0x38;
	[tilespmem:$0x14280] =	vst v63  }
0x146: {  	s26 =	simm.s32 $0x1E80;
	s7 =	spop (v2sf)  }
0x147: {  	[tilespmem:s26], [sflag:$0x1] =	stream.linear.gather [hbm4b:s7+s3], $0x400, $0x38;
	[tilespmem:$0x14280] =	vst v63  }
0x148: {  	s16 =	simm.s32 $0x5E80;
	s10 =	sadd.s32 $0xF4280, s7  }
0x149: {  	[tilespmem:s16], [sflag:$0x1] =	stream.linear.gather [hbm4b:s10+s3], $0x400, $0x38;
	[tilespmem:$0x14280] =	vst v63  }
0x14a: {  	s17 =	sadd.s32 $0x1E8500, s7;
	s26 =	simm.s32 $0x9E80  }
0x14b: {  	[tilespmem:s26], [sflag:$0x1] =	stream.linear.gather [hbm4b:s17+s3], $0x400, $0x38;
	[tilespmem:$0x14280] =	vst v63  }
0x14c: {  	s7 =	sadd.s32 $0x2DC780, s7  }
0x14d: {  	[tilespmem:s11], [sflag:$0x1] =	stream.linear.gather [hbm4b:s7+s3], $0x400, $0x38;
	[tilespmem:$0x14280] =	vst v63  }
0x14e: {  	s7 =	simm.s32 $0x2  }
.LBB2_5:
0x14f: {  	_ =	swait.ge [sflag:s7], $0x1000  }
0x150: {  	[sflag:s7] =	ssyncset.done $0x0  }
0x151: {  	[sflag:s7] =	ssyncadd.s32 $0xFFFFF000  }
0x152: {  	_ =	swait.ge [sflag:s7], $0x1000  }
0x153: {  	[sflag:s7] =	ssyncset.done $0x0  }
0x154: {  	[sflag:s7] =	ssyncadd.s32 $0xFFFFF000  }
0x155: {  	_ =	swait.ge [sflag:s7], $0x1000  }
0x156: {  	[sflag:s7] =	ssyncset.done $0x0  }
0x157: {  	[sflag:s7] =	ssyncadd.s32 $0xFFFFF000  }
0x158: {  	_ =	swait.ge [sflag:s7], $0x1000  }
0x159: {  	[sflag:s7] =	ssyncset.done $0x0  }
0x15a: {  	[sflag:s7] =	ssyncadd.s32 $0xFFFFF000  }
0x15b: {  	_ =	swait.ge [sflag:s7], $0x1000  }
0x15c: {  	[sflag:s7] =	ssyncset.done $0x0  }
0x15d: {  	[sflag:s7] =	ssyncadd.s32 $0xFFFFF000  }
0x15e: {  	_ =	swait.ge [sflag:s7], $0x1000  }
0x15f: {  	[sflag:s7] =	ssyncset.done $0x0  }
0x160: {  	[sflag:s7] =	ssyncadd.s32 $0xFFFFF000  }
0x161: {  	_ =	swait.ge [sflag:s7], $0x1000  }
0x162: {  	[sflag:s7] =	ssyncset.done $0x0  }
0x163: {  	[sflag:s7] =	ssyncadd.s32 $0xFFFFF000  }
0x164: {  	_ =	swait.ge [sflag:s7], $0x1000  }
0x165: {  	[sflag:s7] =	ssyncset.done $0x0  }
0x166: {  	[sflag:s7] =	ssyncadd.s32 $0xFFFFF000  }
0x167: {  	v42 =	vld [tilespmem:s6+$0xFFFFFFF8];
	_ =	sdelay $0x4  }
0x168: {  	v42 =	vand.u32 $0x7F, v42  }
0x169: {  	(v2sf) =	vpush v42, $0x0;
	_ =	sdelay $0x5  }
0x16a: {  	(v2sf) =	vpush v42, $0x1;
	_ =	sdelay $0x6  }
0x16b: {  	(v2sf) =	vpush v42, $0x2;
	_ =	sdelay $0x1  }
0x16c: {  	s7 =	sand.u32 $0x400, s15;
	s9 =	spop (v2sf)  }
0x16d: {  	s9 =	sor.u32 s7, s9  }
0x16e: {  	v43 =	vmov s9  }
0x16f: {  	v44 =	vshll.u32 v43, $0x3  }
0x170: {  	v43 =	vand.u32 $0x7F, v43;
	v44 =	vand.u32 $0x2000, v44  }
0x171: {  	s10 =	sadd.s32 $0xFFFFFF10, s5;
	(v2sf) =	vpush v42, $0x3;
	v43 =	vor.u32 v43, v44  }
0x172: {  	v45 =	vmov s10;
	s16 =	spop (v2sf);
	v44 =	vor.u32 v0, v43  }
0x173: {  	v45 =	vshrl.u32 v45, $0x7;
	s9 =	sor.u32 s16, s7;
	v43 =	vor.u32 v1, v43  }
0x174: {  	v45 =	vshll.u32 v45, v2;
	s9 =	sor.u32 $0x80, s9  }
0x175: {  	v45 =	vbroadcast v45, $0x0;
	v46 =	vmov s9  }
0x176: {  	v47 =	vshll.u32 v46, $0x3  }
0x177: {  	v48 =	vor.u32 v3, v45;
	v46 =	vand.u32 $0x7F, v46;
	v47 =	vand.u32 $0x7FFFFC00, v47;
	v44 =	vld.idx.msk [tilespmem:v44+s8+$0x0], $0xffff  }
0x178: {  	v49 =	vor.u32 v4, v45;
	(v2sf) =	vpush v42, $0x4;
	v46 =	vor.u32 v46, v47;
	v43 =	vld.idx.msk [tilespmem:v43+s8+$0x0], $0xffff  }
0x179: {  	s17 =	spop (v2sf);
	v47 =	vadd.s32 v0, v46  }
0x17a: {  	s9 =	sor.u32 s17, s7;
	v46 =	vadd.s32 v1, v46  }
0x17b: {  	s9 =	sor.u32 $0x100, s9  }
0x17c: {  	v60 =	vmov s9;
	[tilespmem:v48+s12+$0x0] =	vst.idx.msk $0xffff, v44  }
0x17d: {  	v61 =	vshll.u32 v60, $0x3;
	[tilespmem:v49+s12+$0x0] =	vst.idx.msk $0xffff, v43  }
0x17e: {  	v62 =	vor.u32 v5, v45;
	v44 =	vand.u32 $0x7F, v60;
	v43 =	vand.u32 $0x7FFFFC00, v61;
	v47 =	vld.idx.msk [tilespmem:v47+s8+$0x0], $0xffff  }
0x17f: {  	v63 =	vor.u32 v6, v45;
	(v2sf) =	vpush v42, $0x5;
	v46 =	vld.idx.msk [tilespmem:v46+s8+$0x0], $0xffff;
	v43 =	vor.u32 v44, v43  }
0x180: {  	s26 =	spop (v2sf);
	v44 =	vadd.s32 v0, v43  }
0x181: {  	s9 =	sor.u32 s26, s7;
	v43 =	vadd.s32 v1, v43  }
0x182: {  	s9 =	sor.u32 $0x180, s9  }
0x183: {  	v52 =	vmov s9;
	[tilespmem:v62+s12+$0x0] =	vst.idx.msk $0xffff, v47  }
0x184: {  	v53 =	vshll.u32 v52, $0x3;
	[tilespmem:v63+s12+$0x0] =	vst.idx.msk $0xffff, v46  }
0x185: {  	v54 =	vor.u32 v7, v45;
	v47 =	vand.u32 $0x7F, v52;
	v46 =	vand.u32 $0x7FFFFC00, v53;
	v44 =	vld.idx.msk [tilespmem:v44+s8+$0x0], $0xffff  }
0x186: {  	v55 =	vor.u32 v8, v45;
	(v2sf) =	vpush v42, $0x6;
	v43 =	vld.idx.msk [tilespmem:v43+s8+$0x0], $0xffff;
	v46 =	vor.u32 v47, v46  }
0x187: {  	s10 =	spop (v2sf);
	v47 =	vadd.s32 v0, v46  }
0x188: {  	s9 =	sor.u32 s10, s7;
	v46 =	vadd.s32 v1, v46  }
0x189: {  	s9 =	sor.u32 $0x200, s9  }
0x18a: {  	v56 =	vmov s9;
	[tilespmem:v54+s12+$0x0] =	vst.idx.msk $0xffff, v44  }
0x18b: {  	v57 =	vshll.u32 v56, $0x3;
	[tilespmem:v55+s12+$0x0] =	vst.idx.msk $0xffff, v43  }
0x18c: {  	v58 =	vor.u32 v9, v45;
	v44 =	vand.u32 $0x7F, v56;
	v43 =	vand.u32 $0x7FFFFC00, v57;
	v47 =	vld.idx.msk [tilespmem:v47+s8+$0x0], $0xffff  }
0x18d: {  	v45 =	vor.u32 v10, v45;
	s16 =	sadd.s32 $0xFFFFFF90, s5;
	(v2sf) =	vpush v42, $0x7;
	v46 =	vld.idx.msk [tilespmem:v46+s8+$0x0], $0xffff;
	v43 =	vor.u32 v44, v43  }
0x18e: {  	s17 =	sadd.s32 $0xFFFFFFA0, s5;
	v60 =	vmov s16;
	s10 =	spop (v2sf);
	v59 =	vadd.s32 v0, v43  }
0x18f: {  	v61 =	vmov s17;
	s26 =	sor.u32 s10, s7;
	v44 =	vshrl.u32 v60, $0x7;
	v43 =	vadd.s32 v1, v43  }
0x190: {  	v49 =	vshrl.u32 v61, $0x7;
	s9 =	sor.u32 $0x280, s26;
	v44 =	vshll.u32 v44, v2  }
0x191: {  	v62 =	vshll.u32 v49, v2;
	v63 =	vmov s9;
	v44 =	vbroadcast v44, $0x0;
	[tilespmem:v58+s12+$0x0] =	vst.idx.msk $0xffff, v47  }
0x192: {  	v52 =	vbroadcast v62, $0x0;
	v53 =	vshll.u32 v63, $0x3;
	[tilespmem:v45+s12+$0x0] =	vst.idx.msk $0xffff, v46  }
0x193: {  	v54 =	vand.u32 $0x7F, v63;
	v44 =	vor.u32 v3, v44;
	v46 =	vand.u32 $0x7FFFFC00, v53;
	v42 =	vld.idx.msk [tilespmem:v59+s8+$0x0], $0xffff  }
0x194: {  	s10 =	sadd.s32 $0xFFFFFFB0, s5;
	v45 =	vor.u32 v4, v52;
	v43 =	vld.idx.msk [tilespmem:v43+s8+$0x0], $0xffff;
	v46 =	vor.u32 v54, v46  }
0x195: {  	s17 =	sadd.s32 $0xFFFFFFC0, s5;
	s16 =	spop (v2sf);
	v55 =	vmov s10;
	v47 =	vadd.s32 v0, v46  }
0x196: {  	v56 =	vmov s17;
	s26 =	sor.u32 s16, s7;
	v48 =	vshrl.u32 v55, $0x7;
	v46 =	vadd.s32 v1, v46  }
0x197: {  	v49 =	vshrl.u32 v56, $0x7;
	s9 =	sor.u32 $0x300, s26;
	v48 =	vshll.u32 v48, v2  }
0x198: {  	v57 =	vbroadcast v48, $0x0;
	v58 =	vshll.u32 v49, v2;
	v59 =	vmov s9;
	[tilespmem:v44+s12+$0x0] =	vst.idx.msk $0xffff, v42  }
0x199: {  	v60 =	vbroadcast v58, $0x0;
	v61 =	vshll.u32 v59, $0x3;
	[tilespmem:v45+s12+$0x0] =	vst.idx.msk $0xffff, v43  }
0x19a: {  	v62 =	vand.u32 $0x7F, v59;
	v42 =	vor.u32 v5, v57;
	v44 =	vand.u32 $0x7FFFFC00, v61;
	v45 =	vld.idx.msk [tilespmem:v47+s8+$0x0], $0xffff  }
0x19b: {  	s10 =	sadd.s32 $0xFFFFFFD0, s5;
	v43 =	vor.u32 v6, v60;
	v44 =	vor.u32 v62, v44;
	v46 =	vld.idx.msk [tilespmem:v46+s8+$0x0], $0xffff  }
0x19c: {  	s16 =	sadd.s32 $0xFFFFFFE0, s5;
	s17 =	spop (v2sf);
	v63 =	vmov s10;
	v47 =	vadd.s32 v0, v44  }
0x19d: {  	s7 =	sor.u32 s17, s7;
	v48 =	vshrl.u32 v63, $0x7;
	v52 =	vmov s16;
	v44 =	vadd.s32 v1, v44  }
0x19e: {  	s7 =	sor.u32 $0x380, s7;
	v48 =	vshll.u32 v48, v2;
	v49 =	vshrl.u32 v52, $0x7  }
0x19f: {  	v55 =	vmov s7;
	v53 =	vbroadcast v48, $0x0;
	v54 =	vshll.u32 v49, v2;
	[tilespmem:v42+s12+$0x0] =	vst.idx.msk $0xffff, v45  }
0x1a0: {  	v56 =	vbroadcast v54, $0x0;
	v57 =	vshll.u32 v55, $0x3;
	[tilespmem:v43+s12+$0x0] =	vst.idx.msk $0xffff, v46  }
0x1a1: {  	v58 =	vand.u32 $0x7F, v55;
	v42 =	vor.u32 v7, v53;
	v45 =	vand.u32 $0x7FFFFC00, v57;
	v46 =	vld.idx.msk [tilespmem:v47+s8+$0x0], $0xffff  }
0x1a2: {  	s26 =	sadd.s32 $0xFFFFFFF0, s5;
	v43 =	vor.u32 v8, v56;
	v45 =	vor.u32 v58, v45;
	v44 =	vld.idx.msk [tilespmem:v44+s8+$0x0], $0xffff  }
0x1a3: {  	v59 =	vmov s26;
	v47 =	vadd.s32 v0, v45  }
0x1a4: {  	v48 =	vshrl.u32 v59, $0x7;
	v60 =	vmov s5;
	v45 =	vadd.s32 v1, v45  }
0x1a5: {  	v48 =	vshll.u32 v48, v2;
	v49 =	vshrl.u32 v60, $0x7  }
0x1a6: {  	v61 =	vbroadcast v48, $0x0;
	v62 =	vshll.u32 v49, v2;
	[tilespmem:v42+s12+$0x0] =	vst.idx.msk $0xffff, v46  }
0x1a7: {  	v63 =	vbroadcast v62, $0x0;
	[tilespmem:v43+s12+$0x0] =	vst.idx.msk $0xffff, v44  }
0x1a8: {  	s5 =	sadd.s32 $0x100, s5;
	v42 =	vor.u32 v9, v61;
	v44 =	vld.idx.msk [tilespmem:v47+s8+$0x0], $0xffff  }
0x1a9: {  	p0 =	sne.s32 s5, $0x3FF0;
	v43 =	vor.u32 v10, v63;
	v45 =	vld.idx.msk [tilespmem:v45+s8+$0x0], $0xffff  }
.Ltmp3:
0x1aa: {  	_ = 	snop;
	(pc) =	sbr.rel @!p0 .LBB2_6-.Ltmp3, $3  }
0x1ab: {  	_ =	sdelay $0x1  }
0x1ac: {  	[tilespmem:v42+s12+$0x0] =	vst.idx.msk $0xffff, v44  }
0x1ad: {  	s25 =	sadd.s32 $0x1, s25;
	s15 =	sadd.s32 $0x400, s15;
	s6 =	sadd.s32 $0x8, s6;
	[tilespmem:v43+s12+$0x0] =	vst.idx.msk $0xffff, v45  }
.LBB2_2:
0x1ae: {  	v42 =	vld [tilespmem:s6+$0x0];
	_ =	sdelay $0x4  }
0x1af: {  	v42 =	vand.u32 $0xFFFFFF80, v42  }
0x1b0: {  	v42 =	vadd.s32 s0, v42  }
0x1b1: {  	(v2sf) =	vpush v42, $0x0;
	_ =	sdelay $0x1  }
0x1b2: {  	(v2sf) =	vpush v42, $0x1;
	_ =	sdelay $0x8  }
0x1b3: {  	s7 =	sand.u32 $0x1, s25  }
0x1b4: {  	p0 =	seq.s32 s7, $0x1  }
.Ltmp4:
0x1b5: {  	_ = 	snop;
	(pc) =	sbr.rel @p0 .LBB2_4-.Ltmp4, $4  }
0x1b6: {  	_ = 	snop  }
0x1b7: {  	s26 =	spop (v2sf)  }
0x1b8: {  	s10 =	sadd.s32 $0xF4280, s26  }
0x1b9: {  	s9 =	sadd.s32 $0x1E8500, s26;
	s16 =	sadd.s32 $0x2DC780, s26;
	s7 =	spop (v2sf)  }
0x1ba: {  	s17 =	simm.s32 $0x2280  }
0x1bb: {  	(v2sf) =	vpush v42, $0x2;
	[tilespmem:s17], [sflag:$0x2] =	stream.linear.gather [hbm4b:s26+s3], $0x400, $0x38;
	[tilespmem:$0x14280] =	vst v63  }
0x1bc: {  	s26 =	simm.s32 $0x6280  }
0x1bd: {  	[tilespmem:s26], [sflag:$0x2] =	stream.linear.gather [hbm4b:s10+s3], $0x400, $0x38;
	[tilespmem:$0x14280] =	vst v63  }
0x1be: {  	s26 =	simm.s32 $0xA280  }
0x1bf: {  	[tilespmem:s26], [sflag:$0x2] =	stream.linear.gather [hbm4b:s9+s3], $0x400, $0x38;
	[tilespmem:$0x14280] =	vst v63  }
0x1c0: {  	s17 =	simm.s32 $0xE280  }
0x1c1: {  	[tilespmem:s17], [sflag:$0x2] =	stream.linear.gather [hbm4b:s16+s3], $0x400, $0x38;
	[tilespmem:$0x14280] =	vst v63  }
0x1c2: {  	s26 =	simm.s32 $0x2680  }
0x1c3: {  	(v2sf) =	vpush v42, $0x3;
	[tilespmem:s26], [sflag:$0x2] =	stream.linear.gather [hbm4b:s7+s3], $0x400, $0x38;
	[tilespmem:$0x14280] =	vst v63  }
0x1c4: {  	s10 =	sadd.s32 $0xF4280, s7;
	s16 =	simm.s32 $0x6680  }
0x1c5: {  	[tilespmem:s16], [sflag:$0x2] =	stream.linear.gather [hbm4b:s10+s3], $0x400, $0x38;
	[tilespmem:$0x14280] =	vst v63  }
0x1c6: {  	s17 =	sadd.s32 $0x1E8500, s7;
	s26 =	simm.s32 $0xA680  }
0x1c7: {  	[tilespmem:s26], [sflag:$0x2] =	stream.linear.gather [hbm4b:s17+s3], $0x400, $0x38;
	[tilespmem:$0x14280] =	vst v63  }
0x1c8: {  	s16 =	sadd.s32 $0x2DC780, s7;
	s17 =	simm.s32 $0xE680  }
0x1c9: {  	[tilespmem:s17], [sflag:$0x2] =	stream.linear.gather [hbm4b:s16+s3], $0x400, $0x38;
	[tilespmem:$0x14280] =	vst v63  }
0x1ca: {  	s26 =	simm.s32 $0x2A80;
	s7 =	spop (v2sf)  }
0x1cb: {  	(v2sf) =	vpush v42, $0x4;
	[tilespmem:s26], [sflag:$0x2] =	stream.linear.gather [hbm4b:s7+s3], $0x400, $0x38;
	[tilespmem:$0x14280] =	vst v63  }
0x1cc: {  	s16 =	simm.s32 $0x6A80;
	s10 =	sadd.s32 $0xF4280, s7  }
0x1cd: {  	[tilespmem:s16], [sflag:$0x2] =	stream.linear.gather [hbm4b:s10+s3], $0x400, $0x38;
	[tilespmem:$0x14280] =	vst v63  }
0x1ce: {  	s17 =	sadd.s32 $0x1E8500, s7;
	s26 =	simm.s32 $0xAA80  }
0x1cf: {  	[tilespmem:s26], [sflag:$0x2] =	stream.linear.gather [hbm4b:s17+s3], $0x400, $0x38;
	[tilespmem:$0x14280] =	vst v63  }
0x1d0: {  	s7 =	sadd.s32 $0x2DC780, s7;
	s10 =	simm.s32 $0xEA80  }
0x1d1: {  	[tilespmem:s10], [sflag:$0x2] =	stream.linear.gather [hbm4b:s7+s3], $0x400, $0x38;
	[tilespmem:$0x14280] =	vst v63  }
0x1d2: {  	s16 =	simm.s32 $0x2E80;
	s7 =	spop (v2sf)  }
0x1d3: {  	(v2sf) =	vpush v42, $0x5;
	[tilespmem:s16], [sflag:$0x2] =	stream.linear.gather [hbm4b:s7+s3], $0x400, $0x38;
	[tilespmem:$0x14280] =	vst v63  }
0x1d4: {  	s26 =	simm.s32 $0x6E80;
	s17 =	sadd.s32 $0xF4280, s7  }
0x1d5: {  	[tilespmem:s26], [sflag:$0x2] =	stream.linear.gather [hbm4b:s17+s3], $0x400, $0x38;
	[tilespmem:$0x14280] =	vst v63  }
0x1d6: {  	s10 =	sadd.s32 $0x1E8500, s7;
	s16 =	simm.s32 $0xAE80  }
0x1d7: {  	[tilespmem:s16], [sflag:$0x2] =	stream.linear.gather [hbm4b:s10+s3], $0x400, $0x38;
	[tilespmem:$0x14280] =	vst v63  }
0x1d8: {  	s7 =	sadd.s32 $0x2DC780, s7;
	s17 =	simm.s32 $0xEE80  }
0x1d9: {  	[tilespmem:s17], [sflag:$0x2] =	stream.linear.gather [hbm4b:s7+s3], $0x400, $0x38;
	[tilespmem:$0x14280] =	vst v63  }
0x1da: {  	s10 =	simm.s32 $0x3280;
	s26 =	spop (v2sf)  }
0x1db: {  	(v2sf) =	vpush v42, $0x6;
	[tilespmem:s10], [sflag:$0x2] =	stream.linear.gather [hbm4b:s26+s3], $0x400, $0x38;
	[tilespmem:$0x14280] =	vst v63  }
0x1dc: {  	s16 =	sadd.s32 $0xF4280, s26  }
0x1dd: {  	[tilespmem:s18], [sflag:$0x2] =	stream.linear.gather [hbm4b:s16+s3], $0x400, $0x38;
	[tilespmem:$0x14280] =	vst v63  }
0x1de: {  	s17 =	sadd.s32 $0x1E8500, s26  }
0x1df: {  	[tilespmem:s19], [sflag:$0x2] =	stream.linear.gather [hbm4b:s17+s3], $0x400, $0x38;
	[tilespmem:$0x14280] =	vst v63  }
0x1e0: {  	s7 =	sadd.s32 $0x2DC780, s26  }
0x1e1: {  	[tilespmem:s28], [sflag:$0x2] =	stream.linear.gather [hbm4b:s7+s3], $0x400, $0x38;
	[tilespmem:$0x14280] =	vst v63  }
0x1e2: {  	s26 =	spop (v2sf)  }
0x1e3: {  	(v2sf) =	vpush v42, $0x7;
	[tilespmem:s29], [sflag:$0x2] =	stream.linear.gather [hbm4b:s26+s3], $0x400, $0x38;
	[tilespmem:$0x14280] =	vst v63  }
0x1e4: {  	s10 =	sadd.s32 $0xF4280, s26  }
0x1e5: {  	[tilespmem:s30], [sflag:$0x2] =	stream.linear.gather [hbm4b:s10+s3], $0x400, $0x38;
	[tilespmem:$0x14280] =	vst v63  }
0x1e6: {  	s16 =	sadd.s32 $0x1E8500, s26  }
0x1e7: {  	[tilespmem:s20], [sflag:$0x2] =	stream.linear.gather [hbm4b:s16+s3], $0x400, $0x38;
	[tilespmem:$0x14280] =	vst v63  }
0x1e8: {  	s7 =	sadd.s32 $0x2DC780, s26  }
0x1e9: {  	[tilespmem:s21], [sflag:$0x2] =	stream.linear.gather [hbm4b:s7+s3], $0x400, $0x38;
	[tilespmem:$0x14280] =	vst v63  }
0x1ea: {  	s17 =	spop (v2sf)  }
0x1eb: {  	[tilespmem:s22], [sflag:$0x2] =	stream.linear.gather [hbm4b:s17+s3], $0x400, $0x38;
	[tilespmem:$0x14280] =	vst v63  }
0x1ec: {  	s26 =	sadd.s32 $0xF4280, s17  }
0x1ed: {  	[tilespmem:s31], [sflag:$0x2] =	stream.linear.gather [hbm4b:s26+s3], $0x400, $0x38;
	[tilespmem:$0x14280] =	vst v63  }
0x1ee: {  	s10 =	sadd.s32 $0x1E8500, s17  }
0x1ef: {  	[tilespmem:s1], [sflag:$0x2] =	stream.linear.gather [hbm4b:s10+s3], $0x400, $0x38;
	[tilespmem:$0x14280] =	vst v63  }
0x1f0: {  	s7 =	sadd.s32 $0x2DC780, s17  }
0x1f1: {  	[tilespmem:s2], [sflag:$0x2] =	stream.linear.gather [hbm4b:s7+s3], $0x400, $0x38;
	[tilespmem:$0x14280] =	vst v63  }
0x1f2: {  	s16 =	spop (v2sf)  }
0x1f3: {  	[tilespmem:s23], [sflag:$0x2] =	stream.linear.gather [hbm4b:s16+s3], $0x400, $0x38;
	[tilespmem:$0x14280] =	vst v63  }
0x1f4: {  	s17 =	sadd.s32 $0xF4280, s16  }
0x1f5: {  	[tilespmem:s14], [sflag:$0x2] =	stream.linear.gather [hbm4b:s17+s3], $0x400, $0x38;
	[tilespmem:$0x14280] =	vst v63  }
.Ltmp5:
0x1f6: {  	s26 =	sadd.s32 $0x1E8500, s16;
	(pc) =	sbr.rel .LBB2_5-.Ltmp5, $4  }
0x1f7: {  	[tilespmem:s24], [sflag:$0x2] =	stream.linear.gather [hbm4b:s26+s3], $0x400, $0x38;
	[tilespmem:$0x14280] =	vst v63  }
0x1f8: {  	s7 =	sadd.s32 $0x2DC780, s16  }
0x1f9: {  	[tilespmem:s4], [sflag:$0x2] =	stream.linear.gather [hbm4b:s7+s3], $0x400, $0x38;
	[tilespmem:$0x14280] =	vst v63  }
0x1fa: {  	s7 =	simm.s32 $0x1  }
.LBB2_7:
0x1fb: {  	_ =	sfence.sel $0x180000  }
0x1fc: {  	[bflag:$0x0] =	sbarrier.arrive $0xFFFF  }
0x1fd: {  	_ =	strace $0x90000047  }
0x1fe: {  	s0 =	stileid.u32;
	[bflag:$0x2] =	sbarrier.arrive $0xFFFF  }
0x1ff: {  	p0 =	sne.s32 s0, $0x0;
	s0 =	rddreg [dreg:$0x3]  }
0x200: {  	s0 =	sadd.s32 @!p0 $0x100000, s0  }
0x201: {  	[sflag:s0] =	ssyncadd.tile.s32 @!p0 $0x1;
	_ =	shalt  }
.Lfunc_end2:
_tile_overlayer_lowered:
.L_overlay_start_2:
0x202: {  	(tag) =	ssettag $0x2  }
0x203: {  	s0 =	rddreg [dreg:$0x0];
	s2 =	stileid.u32  }
0x204: {  	s1 =	rddreg [dreg:$0x1];
	p0 =	sne.s32 s2, $0x0  }
0x205: {  	s3 =	rddreg [dreg:$0x2];
	[bflag:$0x3] =	sbarrier.arrive $0xFFFF;
	s2 =	simm.s32 @!p0 $0x1C03  }
0x206: {  	[timem:s3], [sflag:s2] =	dma.local @!p0 [hbm:s0], s1  }
0x207: {  	s0 =	simm.s32 @!p0 $0x3  }
0x208: {  	_ =	swait.ge @!p0 [sflag:s0], s1  }
0x209: {  	s1 =	ssub.s32 @!p0 $0x0, s1;
	[sflag:s0] =	ssyncset.done @!p0 $0x0  }
0x20a: {  	[sflag:s0] =	ssyncadd.s32 @!p0 s1  }
0x20b: {  	[bflag:$0x3] =	sbarrier.arrive $0xFFFF  }
0x20c: {  	_ =	shalt  }

</sc_bundles>
